<compile_context>
chip_gen: v7x
topology: tpu7x:2x2x1
jax: 0.10.2.dev20260603
libtpu: 0.0.44.dev20260713+nightly
codegen_flags: <defaults>
</compile_context>

<pallas_src>
import jax
import jax.numpy as jnp
from jax import lax
from jax.experimental import pallas as pl
from jax.experimental.pallas import tpu as pltpu
from jax.experimental.pallas import tpu_sc as plsc

N = 10000
E = 320000
D = 128

NC = 2
NS = 16
NW = NC * NS
EPW = E // NW
CH = 125
NCH = EPW // CH
RPS = N // NS

_mesh = plsc.VectorSubcoreMesh(core_axis_name="c", subcore_axis_name="s")



def _deg_body(dst_hbm, out_hbm, dst_v, hist_v):
    c = lax.axis_index("c")
    s = lax.axis_index("s")
    w = c * NS + s
    pltpu.sync_copy(dst_hbm.at[w], dst_v)
    zero16 = jnp.zeros((16,), jnp.float32)
    one16 = jnp.ones((16,), jnp.float32)

    def zrow(k, carry):
        hist_v[pl.ds(k * 16, 16)] = zero16
        return carry

    lax.fori_loop(0, N // 16, zrow, 0, unroll=False)

    def acc(k, carry):
        idx = dst_v[k, :]
        plsc.addupdate_scatter(hist_v, [idx], one16)
        return carry

    lax.fori_loop(0, EPW // 16, acc, 0, unroll=False)
    pltpu.sync_copy(hist_v, out_hbm.at[pl.ds(w * N, N)])


_deg = pl.kernel(
    _deg_body,
    out_type=jax.ShapeDtypeStruct((NW * N,), jnp.float32),
    mesh=_mesh,
    scratch_types=[
        pltpu.VMEM((EPW // 16, 16), jnp.int32),
        pltpu.VMEM((N,), jnp.float32),
    ],
    compiler_params=pltpu.CompilerParams(needs_layout_passes=False),
)



def _scat_body(g_hbm, src_hbm, dst_hbm, zeros_hbm, out_hbm,
               src_v, dst_v, rows_v, acc_sh, sem):
    c = lax.axis_index("c")
    s = lax.axis_index("s")
    w = c * NS + s
    pltpu.sync_copy(src_hbm.at[w], src_v)
    pltpu.sync_copy(dst_hbm.at[w], dst_v)
    pltpu.sync_copy(zeros_hbm, acc_sh.at[pl.ds(s * RPS, RPS)])
    plsc.subcore_barrier()

    def chunk(j, carry):
        pltpu.async_copy(g_hbm.at[src_v.at[j]], rows_v, sem).wait()
        pltpu.sync_copy(rows_v, acc_sh.at[dst_v.at[j]], add=True)
        return carry

    lax.fori_loop(0, NCH, chunk, 0, unroll=False)
    plsc.subcore_barrier()
    pltpu.sync_copy(acc_sh.at[pl.ds(s * RPS, RPS)], out_hbm.at[c].at[s])


_scatter = pl.kernel(
    _scat_body,
    out_type=jax.ShapeDtypeStruct((NC, NS, RPS, D), jnp.float32),
    mesh=_mesh,
    scratch_types=[
        pltpu.VMEM((NCH, CH), jnp.int32),
        pltpu.VMEM((NCH, CH), jnp.int32),
        pltpu.VMEM((CH, D), jnp.float32),
        pltpu.VMEM_SHARED((N, D), jnp.float32),
        pltpu.SemaphoreType.DMA,
    ],
)



BLK = 1000
GRID = N // BLK


def _dinv_of(degp_ref):
    deg = 1.0 + jnp.sum(degp_ref[...], axis=1, keepdims=True)
    return lax.rsqrt(deg)


def _mm1_body(x_ref, w_ref, degp_ref, o_ref):
    h = jnp.dot(x_ref[...], w_ref[...], preferred_element_type=jnp.float32)
    o_ref[...] = _dinv_of(degp_ref) * h


_mm1 = pl.pallas_call(
    _mm1_body,
    grid=(GRID,),
    in_specs=[
        pl.BlockSpec((BLK, D), lambda i: (i, 0)),
        pl.BlockSpec((D, D), lambda i: (0, 0)),
        pl.BlockSpec((BLK, NW), lambda i: (i, 0)),
    ],
    out_specs=pl.BlockSpec((BLK, D), lambda i: (i, 0)),
    out_shape=jax.ShapeDtypeStruct((N, D), jnp.float32),
)


def _mid_body(s_ref, g_ref, degp_ref, b_ref, w_ref, o_ref):
    dinv = _dinv_of(degp_ref)
    agg = s_ref[0] + s_ref[1] + g_ref[...]
    z = jnp.maximum(dinv * agg + b_ref[...], 0.0)
    h = jnp.dot(z, w_ref[...], preferred_element_type=jnp.float32)
    o_ref[...] = dinv * h


_mid = pl.pallas_call(
    _mid_body,
    grid=(GRID,),
    in_specs=[
        pl.BlockSpec((NC, BLK, D), lambda i: (0, i, 0)),
        pl.BlockSpec((BLK, D), lambda i: (i, 0)),
        pl.BlockSpec((BLK, NW), lambda i: (i, 0)),
        pl.BlockSpec((1, D), lambda i: (0, 0)),
        pl.BlockSpec((D, D), lambda i: (0, 0)),
    ],
    out_specs=pl.BlockSpec((BLK, D), lambda i: (i, 0)),
    out_shape=jax.ShapeDtypeStruct((N, D), jnp.float32),
)


def _fin_body(s_ref, g_ref, degp_ref, b_ref, o_ref):
    dinv = _dinv_of(degp_ref)
    agg = s_ref[0] + s_ref[1] + g_ref[...]
    o_ref[...] = dinv * agg + b_ref[...]


_fin = pl.pallas_call(
    _fin_body,
    grid=(GRID,),
    in_specs=[
        pl.BlockSpec((NC, BLK, D), lambda i: (0, i, 0)),
        pl.BlockSpec((BLK, D), lambda i: (i, 0)),
        pl.BlockSpec((BLK, NW), lambda i: (i, 0)),
        pl.BlockSpec((1, D), lambda i: (0, 0)),
    ],
    out_specs=pl.BlockSpec((BLK, D), lambda i: (i, 0)),
    out_shape=jax.ShapeDtypeStruct((N, D), jnp.float32),
)



@jax.jit
def kernel(x, edge_index, W1, b1, W2, b2):
    srcp = edge_index[0].reshape(NW, NCH, CH)
    dstp = edge_index[1].reshape(NW, NCH, CH)
    dst16 = edge_index[1].reshape(NW, EPW // 16, 16)
    zeros_r = jnp.zeros((RPS, D), jnp.float32)
    b1r = b1.reshape(1, D)
    b2r = b2.reshape(1, D)

    degp = _deg(dst16).reshape(NW, N).T

    g1 = _mm1(x, W1, degp)
    s1 = _scatter(g1, srcp, dstp, zeros_r).reshape(NC, N, D)
    g2 = _mid(s1, g1, degp, b1r, W2)
    s2 = _scatter(g2, srcp, dstp, zeros_r).reshape(NC, N, D)
    return _fin(s2, g2, degp, b2r)

# --- scband reference (transcript-rebuilt; emitter-appended) ---
"""Pipeline reference for scband-gcn-12120397709776 (READ-ONLY COPY).

The authoritative reference and input builder live on the scoring server;
editing this copy changes nothing except your own understanding.
"""

import jax, jax.numpy as jnp
import numpy as np

N = 10000
E = 320000
D_IN = 128
D_HID = 128
D_OUT = 128


def glorot(key, shape):
    scale = jnp.sqrt(6.0 / (shape[0] + shape[1]))
    return jax.random.uniform(key, shape, dtype=jnp.float32, minval=-scale, maxval=scale)


def setup_inputs(seed: int = 0) -> dict:
    key = jax.random.key(seed)
    ks = jax.random.split(key, 6)
    x = jax.random.normal(ks[0], (N, D_IN), dtype=jnp.float32)
    edge_index = jax.random.randint(ks[1], (2, E), 0, N, dtype=jnp.int32)
    W1 = glorot(ks[2], (D_IN, D_HID))
    b1 = jnp.zeros((D_HID,), dtype=jnp.float32)
    W2 = glorot(ks[3], (D_HID, D_OUT))
    b2 = jnp.zeros((D_OUT,), dtype=jnp.float32)
    return {"x": x, "edge_index": edge_index, "W1": W1, "b1": b1, "W2": W2, "b2": b2}


def gcn_conv(x, edge_index, W, b):
    # PyG GCNConv (normalize=True): add self-loops, symmetric D^-1/2 (A+I) D^-1/2, linear-then-aggregate
    n = x.shape[0]
    loop = jnp.arange(n, dtype=edge_index.dtype)
    src = jnp.concatenate([edge_index[0], loop])
    dst = jnp.concatenate([edge_index[1], loop])
    deg = jnp.zeros((n,), x.dtype).at[dst].add(1.0)
    dinv = jnp.where(deg > 0, jax.lax.rsqrt(deg), 0.0)
    norm = dinv[src] * dinv[dst]
    h = x @ W
    msg = h[src] * norm[:, None]
    out = jnp.zeros((n, h.shape[1]), h.dtype).at[dst].add(msg)
    return out + b


def reference(x, edge_index, W1, b1, W2, b2):
    # num_layers=2, dropout=0.0 (identity), eval-mode forward
    h = gcn_conv(x, edge_index, W1, b1)
    h = jax.nn.relu(h)
    out = gcn_conv(h, edge_index, W2, b2)
    return out

if __name__ == "__main__":
    import jax
    _d = setup_inputs()
    print(jax.jit(kernel)(*tuple(_d.values())))

</pallas_src>

<mosaic_0001>
#map = affine_map<(d0, d1) -> (0, 0, 0)>
#map1 = affine_map<(d0, d1) -> (0)>
module attributes {stable_mosaic.version = 14 : i64} {
  func.func @_deg_body(%arg0: i32, %arg1: i32, %arg2: memref<32x625x16xi32, #tpu.memory_space<hbm>>, %arg3: memref<320000xf32, #tpu.memory_space<hbm>>, %arg4: memref<625x16xi32, #tpu.memory_space<vmem>>, %arg5: memref<10000xf32, #tpu.memory_space<vmem>>) attributes {dimension_semantics = [#tpu.dimension_semantics<core_parallel>, #tpu.dimension_semantics<subcore_parallel>], iteration_bounds = array<i64: 2, 16>, scalar_prefetch = 0 : i64, scratch_operands = 2 : i64, tpu.core_type = #tpu.core_type<sc_vector_subcore>, window_params = [{transform_indices = #map}, {transform_indices = #map1}]} {
    %mul3A = arith.constant 16 : i32
    %mul3A_0 = arith.muli %arg0, %mul3A : i32
    %add3A = arith.addi %mul3A_0, %arg1 : i32
    "tpu.region"() ({
      %run_scoped3A = tpu.sem_alloc : memref<!tpu.dma_semaphore, #tpu.memory_space<semaphore_mem>>
      %dma_start3A = arith.constant 0 : i32
      %dma_start3A_17 = arith.constant 0 : i32
      %dma_start3A_18 = tpu.memref_slice %arg2[%add3A, %dma_start3A, %dma_start3A_17] : memref<32x625x16xi32, #tpu.memory_space<hbm>> -> memref<1x625x16xi32, #tpu.memory_space<hbm>>
      %dma_start3A_19 = tpu.memref_squeeze %dma_start3A_18 : memref<1x625x16xi32, #tpu.memory_space<hbm>> -> memref<625x16xi32, #tpu.memory_space<hbm>>
      %dma_start3A_20 = arith.constant 0 : i32
      %dma_start3A_21 = arith.constant 0 : i32
      %dma_start3A_22 = tpu.memref_slice %arg2[%add3A, %dma_start3A_20, %dma_start3A_21] : memref<32x625x16xi32, #tpu.memory_space<hbm>> -> memref<1x625x16xi32, #tpu.memory_space<hbm>>
      %dma_start3A_23 = tpu.memref_squeeze %dma_start3A_22 : memref<1x625x16xi32, #tpu.memory_space<hbm>> -> memref<625x16xi32, #tpu.memory_space<hbm>>
      tpu.enqueue_dma source(%dma_start3A_23 : memref<625x16xi32, #tpu.memory_space<hbm>>) target(%arg4 : memref<625x16xi32, #tpu.memory_space<vmem>>) target_semaphore(%run_scoped3A : memref<!tpu.dma_semaphore, #tpu.memory_space<semaphore_mem>>)
      %dma_wait3A = arith.constant 0 : i32
      %dma_wait3A_24 = arith.constant 0 : i32
      %dma_wait3A_25 = tpu.memref_slice %arg2[%add3A, %dma_wait3A, %dma_wait3A_24] : memref<32x625x16xi32, #tpu.memory_space<hbm>> -> memref<1x625x16xi32, #tpu.memory_space<hbm>>
      %dma_wait3A_26 = tpu.memref_squeeze %dma_wait3A_25 : memref<1x625x16xi32, #tpu.memory_space<hbm>> -> memref<625x16xi32, #tpu.memory_space<hbm>>
      %dma_wait3A_27 = arith.constant 0 : i32
      %dma_wait3A_28 = arith.constant 0 : i32
      %dma_wait3A_29 = tpu.memref_slice %arg2[%add3A, %dma_wait3A_27, %dma_wait3A_28] : memref<32x625x16xi32, #tpu.memory_space<hbm>> -> memref<1x625x16xi32, #tpu.memory_space<hbm>>
      %dma_wait3A_30 = tpu.memref_squeeze %dma_wait3A_29 : memref<1x625x16xi32, #tpu.memory_space<hbm>> -> memref<625x16xi32, #tpu.memory_space<hbm>>
      tpu.wait_dma2 semaphore(%run_scoped3A : memref<!tpu.dma_semaphore, #tpu.memory_space<semaphore_mem>>) src(%dma_wait3A_30 : memref<625x16xi32, #tpu.memory_space<hbm>>) dst(%arg4 : memref<625x16xi32, #tpu.memory_space<vmem>>)
      tpu.yield
    }) : () -> ()
    %broadcast_in_dim3A = arith.constant 0.000000e+00 : f32
    %broadcast_in_dim3A_1 = vector.broadcast %broadcast_in_dim3A : f32 to vector<16xf32>
    %broadcast_in_dim3A_2 = arith.constant 1.000000e+00 : f32
    %broadcast_in_dim3A_3 = vector.broadcast %broadcast_in_dim3A_2 : f32 to vector<16xf32>
    %scan3A = arith.constant 0 : i32
    %scan3A_4 = arith.constant 0 : i32
    %scan3A_5 = arith.constant 625 : i32
    %scan3A_6 = arith.addi %scan3A_4, %scan3A_5 : i32
    %scan3A_7 = arith.constant 1 : i32
    scf.for %scan3A_17 = %scan3A_4 to %scan3A_6 step %scan3A_7  : i32 {
      %mul3A_18 = arith.constant 16 : i32
      %mul3A_19 = arith.muli %scan3A_17, %mul3A_18 : i32
      %swap3A = arith.index_cast %mul3A_19 : i32 to index
      %swap3A_20 = tpu.vector_load %arg5[%swap3A] {strides = array<i32>} : memref<10000xf32, #tpu.memory_space<vmem>>, vector<16xf32>,
      tpu.vector_store %arg5[%swap3A], %broadcast_in_dim3A_1 {strides = array<i32>} : memref<10000xf32, #tpu.memory_space<vmem>>, vector<16xf32>,
    }
    %scan3A_8 = arith.constant 625 : i32
    %scan3A_9 = arith.constant 0 : i32
    %scan3A_10 = arith.constant 0 : i32
    %scan3A_11 = arith.constant 625 : i32
    %scan3A_12 = arith.addi %scan3A_10, %scan3A_11 : i32
    %scan3A_13 = arith.constant 1 : i32
    scf.for %scan3A_17 = %scan3A_10 to %scan3A_12 step %scan3A_13  : i32 {
      %get3A = arith.index_cast %scan3A_17 : i32 to index
      %get3A_18 = arith.constant 0 : index
      %get3A_19 = tpu.vector_load %arg4[%get3A, %get3A_18] {strides = array<i32>} : memref<625x16xi32, #tpu.memory_space<vmem>>, vector<16xi32>,
      tpu.vector_store_idx %arg5[%get3A_19], %broadcast_in_dim3A_3 {add = true} : memref<10000xf32, #tpu.memory_space<vmem>>[vector<16xi32>], vector<16xf32>,
    }
    %scan3A_14 = arith.constant 625 : i32
    %mul3A_15 = arith.constant 10000 : i32
    %mul3A_16 = arith.muli %add3A, %mul3A_15 : i32
    "tpu.region"() ({
      %run_scoped3A = tpu.sem_alloc : memref<!tpu.dma_semaphore, #tpu.memory_space<semaphore_mem>>
      %dma_start3A = tpu.memref_slice %arg3[%mul3A_16] : memref<320000xf32, #tpu.memory_space<hbm>> -> memref<10000xf32, #tpu.memory_space<hbm>>
      %dma_start3A_17 = tpu.memref_slice %arg3[%mul3A_16] : memref<320000xf32, #tpu.memory_space<hbm>> -> memref<10000xf32, #tpu.memory_space<hbm>>
      tpu.enqueue_dma source(%arg5 : memref<10000xf32, #tpu.memory_space<vmem>>) target(%dma_start3A_17 : memref<10000xf32, #tpu.memory_space<hbm>>) target_semaphore(%run_scoped3A : memref<!tpu.dma_semaphore, #tpu.memory_space<semaphore_mem>>)
      %dma_wait3A = tpu.memref_slice %arg3[%mul3A_16] : memref<320000xf32, #tpu.memory_space<hbm>> -> memref<10000xf32, #tpu.memory_space<hbm>>
      %dma_wait3A_18 = tpu.memref_slice %arg3[%mul3A_16] : memref<320000xf32, #tpu.memory_space<hbm>> -> memref<10000xf32, #tpu.memory_space<hbm>>
      tpu.wait_dma2 semaphore(%run_scoped3A : memref<!tpu.dma_semaphore, #tpu.memory_space<semaphore_mem>>) src(%arg5 : memref<10000xf32, #tpu.memory_space<vmem>>) dst(%dma_wait3A_18 : memref<10000xf32, #tpu.memory_space<hbm>>)
      tpu.yield
    }) : () -> ()
    return
  }
}

#map = affine_map<(d0, d1) -> (0, 0)>
#map1 = affine_map<(d0, d1) -> (0, 0, 0)>
#map2 = affine_map<(d0, d1) -> (0, 0, 0, 0)>
module attributes {stable_mosaic.version = 14 : i64} {
  func.func @_scat_body(%arg0: i32, %arg1: i32, %arg2: memref<10000x128xf32, #tpu.memory_space<hbm>>, %arg3: memref<32x80x125xi32, #tpu.memory_space<hbm>>, %arg4: memref<32x80x125xi32, #tpu.memory_space<hbm>>, %arg5: memref<625x128xf32, #tpu.memory_space<hbm>>, %arg6: memref<2x16x625x128xf32, #tpu.memory_space<hbm>>, %arg7: memref<80x125xi32, #tpu.memory_space<vmem>>, %arg8: memref<80x125xi32, #tpu.memory_space<vmem>>, %arg9: memref<125x128xf32, #tpu.memory_space<vmem>>, %arg10: memref<10000x128xf32, #tpu.memory_space<vmem_shared>>, %arg11: memref<!tpu.dma_semaphore, #tpu.memory_space<semaphore_mem>>) attributes {dimension_semantics = [#tpu.dimension_semantics<core_parallel>, #tpu.dimension_semantics<subcore_parallel>], iteration_bounds = array<i64: 2, 16>, scalar_prefetch = 0 : i64, scratch_operands = 5 : i64, tpu.core_type = #tpu.core_type<sc_vector_subcore>, window_params = [{transform_indices = #map}, {transform_indices = #map1}, {transform_indices = #map1}, {transform_indices = #map}, {transform_indices = #map2}]} {
    %mul3A = arith.constant 16 : i32
    %mul3A_0 = arith.muli %arg0, %mul3A : i32
    %add3A = arith.addi %mul3A_0, %arg1 : i32
    "tpu.region"() ({
      %run_scoped3A = tpu.sem_alloc : memref<!tpu.dma_semaphore, #tpu.memory_space<semaphore_mem>>
      %dma_start3A = arith.constant 0 : i32
      %dma_start3A_11 = arith.constant 0 : i32
      %dma_start3A_12 = tpu.memref_slice %arg3[%add3A, %dma_start3A, %dma_start3A_11] : memref<32x80x125xi32, #tpu.memory_space<hbm>> -> memref<1x80x125xi32, #tpu.memory_space<hbm>>
      %dma_start3A_13 = tpu.memref_squeeze %dma_start3A_12 : memref<1x80x125xi32, #tpu.memory_space<hbm>> -> memref<80x125xi32, #tpu.memory_space<hbm>>
      %dma_start3A_14 = arith.constant 0 : i32
      %dma_start3A_15 = arith.constant 0 : i32
      %dma_start3A_16 = tpu.memref_slice %arg3[%add3A, %dma_start3A_14, %dma_start3A_15] : memref<32x80x125xi32, #tpu.memory_space<hbm>> -> memref<1x80x125xi32, #tpu.memory_space<hbm>>
      %dma_start3A_17 = tpu.memref_squeeze %dma_start3A_16 : memref<1x80x125xi32, #tpu.memory_space<hbm>> -> memref<80x125xi32, #tpu.memory_space<hbm>>
      tpu.enqueue_dma source(%dma_start3A_17 : memref<80x125xi32, #tpu.memory_space<hbm>>) target(%arg7 : memref<80x125xi32, #tpu.memory_space<vmem>>) target_semaphore(%run_scoped3A : memref<!tpu.dma_semaphore, #tpu.memory_space<semaphore_mem>>)
      %dma_wait3A = arith.constant 0 : i32
      %dma_wait3A_18 = arith.constant 0 : i32
      %dma_wait3A_19 = tpu.memref_slice %arg3[%add3A, %dma_wait3A, %dma_wait3A_18] : memref<32x80x125xi32, #tpu.memory_space<hbm>> -> memref<1x80x125xi32, #tpu.memory_space<hbm>>
      %dma_wait3A_20 = tpu.memref_squeeze %dma_wait3A_19 : memref<1x80x125xi32, #tpu.memory_space<hbm>> -> memref<80x125xi32, #tpu.memory_space<hbm>>
      %dma_wait3A_21 = arith.constant 0 : i32
      %dma_wait3A_22 = arith.constant 0 : i32
      %dma_wait3A_23 = tpu.memref_slice %arg3[%add3A, %dma_wait3A_21, %dma_wait3A_22] : memref<32x80x125xi32, #tpu.memory_space<hbm>> -> memref<1x80x125xi32, #tpu.memory_space<hbm>>
      %dma_wait3A_24 = tpu.memref_squeeze %dma_wait3A_23 : memref<1x80x125xi32, #tpu.memory_space<hbm>> -> memref<80x125xi32, #tpu.memory_space<hbm>>
      tpu.wait_dma2 semaphore(%run_scoped3A : memref<!tpu.dma_semaphore, #tpu.memory_space<semaphore_mem>>) src(%dma_wait3A_24 : memref<80x125xi32, #tpu.memory_space<hbm>>) dst(%arg7 : memref<80x125xi32, #tpu.memory_space<vmem>>)
      tpu.yield
    }) : () -> ()
    "tpu.region"() ({
      %run_scoped3A = tpu.sem_alloc : memref<!tpu.dma_semaphore, #tpu.memory_space<semaphore_mem>>
      %dma_start3A = arith.constant 0 : i32
      %dma_start3A_11 = arith.constant 0 : i32
      %dma_start3A_12 = tpu.memref_slice %arg4[%add3A, %dma_start3A, %dma_start3A_11] : memref<32x80x125xi32, #tpu.memory_space<hbm>> -> memref<1x80x125xi32, #tpu.memory_space<hbm>>
      %dma_start3A_13 = tpu.memref_squeeze %dma_start3A_12 : memref<1x80x125xi32, #tpu.memory_space<hbm>> -> memref<80x125xi32, #tpu.memory_space<hbm>>
      %dma_start3A_14 = arith.constant 0 : i32
      %dma_start3A_15 = arith.constant 0 : i32
      %dma_start3A_16 = tpu.memref_slice %arg4[%add3A, %dma_start3A_14, %dma_start3A_15] : memref<32x80x125xi32, #tpu.memory_space<hbm>> -> memref<1x80x125xi32, #tpu.memory_space<hbm>>
      %dma_start3A_17 = tpu.memref_squeeze %dma_start3A_16 : memref<1x80x125xi32, #tpu.memory_space<hbm>> -> memref<80x125xi32, #tpu.memory_space<hbm>>
      tpu.enqueue_dma source(%dma_start3A_17 : memref<80x125xi32, #tpu.memory_space<hbm>>) target(%arg8 : memref<80x125xi32, #tpu.memory_space<vmem>>) target_semaphore(%run_scoped3A : memref<!tpu.dma_semaphore, #tpu.memory_space<semaphore_mem>>)
      %dma_wait3A = arith.constant 0 : i32
      %dma_wait3A_18 = arith.constant 0 : i32
      %dma_wait3A_19 = tpu.memref_slice %arg4[%add3A, %dma_wait3A, %dma_wait3A_18] : memref<32x80x125xi32, #tpu.memory_space<hbm>> -> memref<1x80x125xi32, #tpu.memory_space<hbm>>
      %dma_wait3A_20 = tpu.memref_squeeze %dma_wait3A_19 : memref<1x80x125xi32, #tpu.memory_space<hbm>> -> memref<80x125xi32, #tpu.memory_space<hbm>>
      %dma_wait3A_21 = arith.constant 0 : i32
      %dma_wait3A_22 = arith.constant 0 : i32
      %dma_wait3A_23 = tpu.memref_slice %arg4[%add3A, %dma_wait3A_21, %dma_wait3A_22] : memref<32x80x125xi32, #tpu.memory_space<hbm>> -> memref<1x80x125xi32, #tpu.memory_space<hbm>>
      %dma_wait3A_24 = tpu.memref_squeeze %dma_wait3A_23 : memref<1x80x125xi32, #tpu.memory_space<hbm>> -> memref<80x125xi32, #tpu.memory_space<hbm>>
      tpu.wait_dma2 semaphore(%run_scoped3A : memref<!tpu.dma_semaphore, #tpu.memory_space<semaphore_mem>>) src(%dma_wait3A_24 : memref<80x125xi32, #tpu.memory_space<hbm>>) dst(%arg8 : memref<80x125xi32, #tpu.memory_space<vmem>>)
      tpu.yield
    }) : () -> ()
    %mul3A_1 = arith.constant 625 : i32
    %mul3A_2 = arith.muli %arg1, %mul3A_1 : i32
    "tpu.region"() ({
      %run_scoped3A = tpu.sem_alloc : memref<!tpu.dma_semaphore, #tpu.memory_space<semaphore_mem>>
      %dma_start3A = arith.constant 0 : i32
      %dma_start3A_11 = tpu.memref_slice %arg10[%mul3A_2, %dma_start3A] : memref<10000x128xf32, #tpu.memory_space<vmem_shared>> -> memref<625x128xf32, #tpu.memory_space<vmem_shared>>
      tpu.enqueue_dma source(%arg5 : memref<625x128xf32, #tpu.memory_space<hbm>>) target(%dma_start3A_11 : memref<625x128xf32, #tpu.memory_space<vmem_shared>>) target_semaphore(%run_scoped3A : memref<!tpu.dma_semaphore, #tpu.memory_space<semaphore_mem>>)
      %dma_wait3A = arith.constant 0 : i32
      %dma_wait3A_12 = tpu.memref_slice %arg10[%mul3A_2, %dma_wait3A] : memref<10000x128xf32, #tpu.memory_space<vmem_shared>> -> memref<625x128xf32, #tpu.memory_space<vmem_shared>>
      tpu.wait_dma2 semaphore(%run_scoped3A : memref<!tpu.dma_semaphore, #tpu.memory_space<semaphore_mem>>) src(%arg5 : memref<625x128xf32, #tpu.memory_space<hbm>>) dst(%dma_wait3A_12 : memref<625x128xf32, #tpu.memory_space<vmem_shared>>)
      tpu.yield
    }) : () -> ()
    %barrier3A = arith.constant 0 : index
    tpu.barrier barrier_id(%barrier3A)
    %scan3A = arith.constant 0 : i32
    %scan3A_3 = arith.constant 0 : i32
    %scan3A_4 = arith.constant 80 : i32
    %scan3A_5 = arith.addi %scan3A_3, %scan3A_4 : i32
    %scan3A_6 = arith.constant 1 : i32
    scf.for %scan3A_11 = %scan3A_3 to %scan3A_5 step %scan3A_6  : i32 {
      %dma_start3A = arith.constant 0 : i32
      %dma_start3A_12 = tpu.memref_slice %arg7[%scan3A_11, %dma_start3A] : memref<80x125xi32, #tpu.memory_space<vmem>> -> memref<1x125xi32, #tpu.memory_space<vmem>>
      %dma_start3A_13 = tpu.memref_squeeze %dma_start3A_12 : memref<1x125xi32, #tpu.memory_space<vmem>> -> memref<125xi32, #tpu.memory_space<vmem>>
      %dma_start3A_14 = arith.constant 0 : i32
      %dma_start3A_15 = arith.constant 0 : i32
      %dma_start3A_16 = tpu.memref_slice %arg2[%dma_start3A_14, %dma_start3A_15] : memref<10000x128xf32, #tpu.memory_space<hbm>> -> memref<10000x128xf32, #tpu.memory_space<hbm>>
      tpu.enqueue_indirect_dma source(%dma_start3A_16 : memref<10000x128xf32, #tpu.memory_space<hbm>>) target(%arg9 : memref<125x128xf32, #tpu.memory_space<vmem>>) offsets(%dma_start3A_13 : memref<125xi32, #tpu.memory_space<vmem>>) semaphore(%arg11 : memref<!tpu.dma_semaphore, #tpu.memory_space<semaphore_mem>>)
      %dma_wait3A = arith.constant 0 : i32
      %dma_wait3A_17 = tpu.memref_slice %arg7[%scan3A_11, %dma_wait3A] : memref<80x125xi32, #tpu.memory_space<vmem>> -> memref<1x125xi32, #tpu.memory_space<vmem>>
      %dma_wait3A_18 = tpu.memref_squeeze %dma_wait3A_17 : memref<1x125xi32, #tpu.memory_space<vmem>> -> memref<125xi32, #tpu.memory_space<vmem>>
      %dma_wait3A_19 = arith.constant 0 : i32
      %dma_wait3A_20 = arith.constant 0 : i32
      %dma_wait3A_21 = tpu.memref_slice %arg2[%dma_wait3A_19, %dma_wait3A_20] : memref<10000x128xf32, #tpu.memory_space<hbm>> -> memref<10000x128xf32, #tpu.memory_space<hbm>>
      tpu.wait_indirect_dma semaphore(%arg11 : memref<!tpu.dma_semaphore, #tpu.memory_space<semaphore_mem>>) src(%dma_wait3A_21 : memref<10000x128xf32, #tpu.memory_space<hbm>>) dst(%arg9 : memref<125x128xf32, #tpu.memory_space<vmem>>)
      "tpu.region"() ({
        %run_scoped3A = tpu.sem_alloc : memref<!tpu.dma_semaphore, #tpu.memory_space<semaphore_mem>>
        %dma_start3A_22 = arith.constant 0 : i32
        %dma_start3A_23 = tpu.memref_slice %arg8[%scan3A_11, %dma_start3A_22] : memref<80x125xi32, #tpu.memory_space<vmem>> -> memref<1x125xi32, #tpu.memory_space<vmem>>
        %dma_start3A_24 = tpu.memref_squeeze %dma_start3A_23 : memref<1x125xi32, #tpu.memory_space<vmem>> -> memref<125xi32, #tpu.memory_space<vmem>>
        %dma_start3A_25 = arith.constant 0 : i32
        %dma_start3A_26 = arith.constant 0 : i32
        %dma_start3A_27 = tpu.memref_slice %arg10[%dma_start3A_25, %dma_start3A_26] : memref<10000x128xf32, #tpu.memory_space<vmem_shared>> -> memref<10000x128xf32, #tpu.memory_space<vmem_shared>>
        tpu.enqueue_indirect_dma source(%arg9 : memref<125x128xf32, #tpu.memory_space<vmem>>) target(%dma_start3A_27 : memref<10000x128xf32, #tpu.memory_space<vmem_shared>>) offsets(%dma_start3A_24 : memref<125xi32, #tpu.memory_space<vmem>>) semaphore(%run_scoped3A : memref<!tpu.dma_semaphore, #tpu.memory_space<semaphore_mem>>) {add = true}
        %dma_wait3A_28 = arith.constant 0 : i32
        %dma_wait3A_29 = tpu.memref_slice %arg8[%scan3A_11, %dma_wait3A_28] : memref<80x125xi32, #tpu.memory_space<vmem>> -> memref<1x125xi32, #tpu.memory_space<vmem>>
        %dma_wait3A_30 = tpu.memref_squeeze %dma_wait3A_29 : memref<1x125xi32, #tpu.memory_space<vmem>> -> memref<125xi32, #tpu.memory_space<vmem>>
        %dma_wait3A_31 = arith.constant 0 : i32
        %dma_wait3A_32 = arith.constant 0 : i32
        %dma_wait3A_33 = tpu.memref_slice %arg10[%dma_wait3A_31, %dma_wait3A_32] : memref<10000x128xf32, #tpu.memory_space<vmem_shared>> -> memref<10000x128xf32, #tpu.memory_space<vmem_shared>>
        tpu.wait_indirect_dma semaphore(%run_scoped3A : memref<!tpu.dma_semaphore, #tpu.memory_space<semaphore_mem>>) src(%arg9 : memref<125x128xf32, #tpu.memory_space<vmem>>) dst(%dma_wait3A_33 : memref<10000x128xf32, #tpu.memory_space<vmem_shared>>)
        tpu.yield
      }) : () -> ()
    }
    %scan3A_7 = arith.constant 80 : i32
    %barrier3A_8 = arith.constant 0 : index
    tpu.barrier barrier_id(%barrier3A_8)
    %mul3A_9 = arith.constant 625 : i32
    %mul3A_10 = arith.muli %arg1, %mul3A_9 : i32
    "tpu.region"() ({
      %run_scoped3A = tpu.sem_alloc : memref<!tpu.dma_semaphore, #tpu.memory_space<semaphore_mem>>
      %dma_start3A = arith.constant 0 : i32
      %dma_start3A_11 = arith.constant 0 : i32
      %dma_start3A_12 = arith.constant 0 : i32
      %dma_start3A_13 = tpu.memref_slice %arg6[%arg0, %dma_start3A, %dma_start3A_11, %dma_start3A_12] : memref<2x16x625x128xf32, #tpu.memory_space<hbm>> -> memref<1x16x625x128xf32, #tpu.memory_space<hbm>>
      %dma_start3A_14 = tpu.memref_squeeze %dma_start3A_13 : memref<1x16x625x128xf32, #tpu.memory_space<hbm>> -> memref<16x625x128xf32, #tpu.memory_space<hbm>>
      %dma_start3A_15 = arith.constant 0 : i32
      %dma_start3A_16 = arith.constant 0 : i32
      %dma_start3A_17 = tpu.memref_slice %dma_start3A_14[%arg1, %dma_start3A_15, %dma_start3A_16] : memref<16x625x128xf32, #tpu.memory_space<hbm>> -> memref<1x625x128xf32, #tpu.memory_space<hbm>>
      %dma_start3A_18 = tpu.memref_squeeze %dma_start3A_17 : memref<1x625x128xf32, #tpu.memory_space<hbm>> -> memref<625x128xf32, #tpu.memory_space<hbm>>
      %dma_start3A_19 = arith.constant 0 : i32
      %dma_start3A_20 = tpu.memref_slice %arg10[%mul3A_10, %dma_start3A_19] : memref<10000x128xf32, #tpu.memory_space<vmem_shared>> -> memref<625x128xf32, #tpu.memory_space<vmem_shared>>
      tpu.enqueue_dma source(%dma_start3A_20 : memref<625x128xf32, #tpu.memory_space<vmem_shared>>) target(%dma_start3A_18 : memref<625x128xf32, #tpu.memory_space<hbm>>) target_semaphore(%run_scoped3A : memref<!tpu.dma_semaphore, #tpu.memory_space<semaphore_mem>>)
      %dma_wait3A = arith.constant 0 : i32
      %dma_wait3A_21 = arith.constant 0 : i32
      %dma_wait3A_22 = arith.constant 0 : i32
      %dma_wait3A_23 = tpu.memref_slice %arg6[%arg0, %dma_wait3A, %dma_wait3A_21, %dma_wait3A_22] : memref<2x16x625x128xf32, #tpu.memory_space<hbm>> -> memref<1x16x625x128xf32, #tpu.memory_space<hbm>>
      %dma_wait3A_24 = tpu.memref_squeeze %dma_wait3A_23 : memref<1x16x625x128xf32, #tpu.memory_space<hbm>> -> memref<16x625x128xf32, #tpu.memory_space<hbm>>
      %dma_wait3A_25 = arith.constant 0 : i32
      %dma_wait3A_26 = arith.constant 0 : i32
      %dma_wait3A_27 = tpu.memref_slice %dma_wait3A_24[%arg1, %dma_wait3A_25, %dma_wait3A_26] : memref<16x625x128xf32, #tpu.memory_space<hbm>> -> memref<1x625x128xf32, #tpu.memory_space<hbm>>
      %dma_wait3A_28 = tpu.memref_squeeze %dma_wait3A_27 : memref<1x625x128xf32, #tpu.memory_space<hbm>> -> memref<625x128xf32, #tpu.memory_space<hbm>>
      %dma_wait3A_29 = arith.constant 0 : i32
      %dma_wait3A_30 = tpu.memref_slice %arg10[%mul3A_10, %dma_wait3A_29] : memref<10000x128xf32, #tpu.memory_space<vmem_shared>> -> memref<625x128xf32, #tpu.memory_space<vmem_shared>>
      tpu.wait_dma2 semaphore(%run_scoped3A : memref<!tpu.dma_semaphore, #tpu.memory_space<semaphore_mem>>) src(%dma_wait3A_30 : memref<625x128xf32, #tpu.memory_space<vmem_shared>>) dst(%dma_wait3A_28 : memref<625x128xf32, #tpu.memory_space<hbm>>)
      tpu.yield
    }) : () -> ()
    return
  }
}

#map = affine_map<(d0, d1) -> (0, 0)>
#map1 = affine_map<(d0, d1) -> (0, 0, 0)>
#map2 = affine_map<(d0, d1) -> (0, 0, 0, 0)>
module attributes {stable_mosaic.version = 14 : i64} {
  func.func @_scat_body(%arg0: i32, %arg1: i32, %arg2: memref<10000x128xf32, #tpu.memory_space<hbm>>, %arg3: memref<32x80x125xi32, #tpu.memory_space<hbm>>, %arg4: memref<32x80x125xi32, #tpu.memory_space<hbm>>, %arg5: memref<625x128xf32, #tpu.memory_space<hbm>>, %arg6: memref<2x16x625x128xf32, #tpu.memory_space<hbm>>, %arg7: memref<80x125xi32, #tpu.memory_space<vmem>>, %arg8: memref<80x125xi32, #tpu.memory_space<vmem>>, %arg9: memref<125x128xf32, #tpu.memory_space<vmem>>, %arg10: memref<10000x128xf32, #tpu.memory_space<vmem_shared>>, %arg11: memref<!tpu.dma_semaphore, #tpu.memory_space<semaphore_mem>>) attributes {dimension_semantics = [#tpu.dimension_semantics<core_parallel>, #tpu.dimension_semantics<subcore_parallel>], iteration_bounds = array<i64: 2, 16>, scalar_prefetch = 0 : i64, scratch_operands = 5 : i64, tpu.core_type = #tpu.core_type<sc_vector_subcore>, window_params = [{transform_indices = #map}, {transform_indices = #map1}, {transform_indices = #map1}, {transform_indices = #map}, {transform_indices = #map2}]} {
    %mul3A = arith.constant 16 : i32
    %mul3A_0 = arith.muli %arg0, %mul3A : i32
    %add3A = arith.addi %mul3A_0, %arg1 : i32
    "tpu.region"() ({
      %run_scoped3A = tpu.sem_alloc : memref<!tpu.dma_semaphore, #tpu.memory_space<semaphore_mem>>
      %dma_start3A = arith.constant 0 : i32
      %dma_start3A_11 = arith.constant 0 : i32
      %dma_start3A_12 = tpu.memref_slice %arg3[%add3A, %dma_start3A, %dma_start3A_11] : memref<32x80x125xi32, #tpu.memory_space<hbm>> -> memref<1x80x125xi32, #tpu.memory_space<hbm>>
      %dma_start3A_13 = tpu.memref_squeeze %dma_start3A_12 : memref<1x80x125xi32, #tpu.memory_space<hbm>> -> memref<80x125xi32, #tpu.memory_space<hbm>>
      %dma_start3A_14 = arith.constant 0 : i32
      %dma_start3A_15 = arith.constant 0 : i32
      %dma_start3A_16 = tpu.memref_slice %arg3[%add3A, %dma_start3A_14, %dma_start3A_15] : memref<32x80x125xi32, #tpu.memory_space<hbm>> -> memref<1x80x125xi32, #tpu.memory_space<hbm>>
      %dma_start3A_17 = tpu.memref_squeeze %dma_start3A_16 : memref<1x80x125xi32, #tpu.memory_space<hbm>> -> memref<80x125xi32, #tpu.memory_space<hbm>>
      tpu.enqueue_dma source(%dma_start3A_17 : memref<80x125xi32, #tpu.memory_space<hbm>>) target(%arg7 : memref<80x125xi32, #tpu.memory_space<vmem>>) target_semaphore(%run_scoped3A : memref<!tpu.dma_semaphore, #tpu.memory_space<semaphore_mem>>)
      %dma_wait3A = arith.constant 0 : i32
      %dma_wait3A_18 = arith.constant 0 : i32
      %dma_wait3A_19 = tpu.memref_slice %arg3[%add3A, %dma_wait3A, %dma_wait3A_18] : memref<32x80x125xi32, #tpu.memory_space<hbm>> -> memref<1x80x125xi32, #tpu.memory_space<hbm>>
      %dma_wait3A_20 = tpu.memref_squeeze %dma_wait3A_19 : memref<1x80x125xi32, #tpu.memory_space<hbm>> -> memref<80x125xi32, #tpu.memory_space<hbm>>
      %dma_wait3A_21 = arith.constant 0 : i32
      %dma_wait3A_22 = arith.constant 0 : i32
      %dma_wait3A_23 = tpu.memref_slice %arg3[%add3A, %dma_wait3A_21, %dma_wait3A_22] : memref<32x80x125xi32, #tpu.memory_space<hbm>> -> memref<1x80x125xi32, #tpu.memory_space<hbm>>
      %dma_wait3A_24 = tpu.memref_squeeze %dma_wait3A_23 : memref<1x80x125xi32, #tpu.memory_space<hbm>> -> memref<80x125xi32, #tpu.memory_space<hbm>>
      tpu.wait_dma2 semaphore(%run_scoped3A : memref<!tpu.dma_semaphore, #tpu.memory_space<semaphore_mem>>) src(%dma_wait3A_24 : memref<80x125xi32, #tpu.memory_space<hbm>>) dst(%arg7 : memref<80x125xi32, #tpu.memory_space<vmem>>)
      tpu.yield
    }) : () -> ()
    "tpu.region"() ({
      %run_scoped3A = tpu.sem_alloc : memref<!tpu.dma_semaphore, #tpu.memory_space<semaphore_mem>>
      %dma_start3A = arith.constant 0 : i32
      %dma_start3A_11 = arith.constant 0 : i32
      %dma_start3A_12 = tpu.memref_slice %arg4[%add3A, %dma_start3A, %dma_start3A_11] : memref<32x80x125xi32, #tpu.memory_space<hbm>> -> memref<1x80x125xi32, #tpu.memory_space<hbm>>
      %dma_start3A_13 = tpu.memref_squeeze %dma_start3A_12 : memref<1x80x125xi32, #tpu.memory_space<hbm>> -> memref<80x125xi32, #tpu.memory_space<hbm>>
      %dma_start3A_14 = arith.constant 0 : i32
      %dma_start3A_15 = arith.constant 0 : i32
      %dma_start3A_16 = tpu.memref_slice %arg4[%add3A, %dma_start3A_14, %dma_start3A_15] : memref<32x80x125xi32, #tpu.memory_space<hbm>> -> memref<1x80x125xi32, #tpu.memory_space<hbm>>
      %dma_start3A_17 = tpu.memref_squeeze %dma_start3A_16 : memref<1x80x125xi32, #tpu.memory_space<hbm>> -> memref<80x125xi32, #tpu.memory_space<hbm>>
      tpu.enqueue_dma source(%dma_start3A_17 : memref<80x125xi32, #tpu.memory_space<hbm>>) target(%arg8 : memref<80x125xi32, #tpu.memory_space<vmem>>) target_semaphore(%run_scoped3A : memref<!tpu.dma_semaphore, #tpu.memory_space<semaphore_mem>>)
      %dma_wait3A = arith.constant 0 : i32
      %dma_wait3A_18 = arith.constant 0 : i32
      %dma_wait3A_19 = tpu.memref_slice %arg4[%add3A, %dma_wait3A, %dma_wait3A_18] : memref<32x80x125xi32, #tpu.memory_space<hbm>> -> memref<1x80x125xi32, #tpu.memory_space<hbm>>
      %dma_wait3A_20 = tpu.memref_squeeze %dma_wait3A_19 : memref<1x80x125xi32, #tpu.memory_space<hbm>> -> memref<80x125xi32, #tpu.memory_space<hbm>>
      %dma_wait3A_21 = arith.constant 0 : i32
      %dma_wait3A_22 = arith.constant 0 : i32
      %dma_wait3A_23 = tpu.memref_slice %arg4[%add3A, %dma_wait3A_21, %dma_wait3A_22] : memref<32x80x125xi32, #tpu.memory_space<hbm>> -> memref<1x80x125xi32, #tpu.memory_space<hbm>>
      %dma_wait3A_24 = tpu.memref_squeeze %dma_wait3A_23 : memref<1x80x125xi32, #tpu.memory_space<hbm>> -> memref<80x125xi32, #tpu.memory_space<hbm>>
      tpu.wait_dma2 semaphore(%run_scoped3A : memref<!tpu.dma_semaphore, #tpu.memory_space<semaphore_mem>>) src(%dma_wait3A_24 : memref<80x125xi32, #tpu.memory_space<hbm>>) dst(%arg8 : memref<80x125xi32, #tpu.memory_space<vmem>>)
      tpu.yield
    }) : () -> ()
    %mul3A_1 = arith.constant 625 : i32
    %mul3A_2 = arith.muli %arg1, %mul3A_1 : i32
    "tpu.region"() ({
      %run_scoped3A = tpu.sem_alloc : memref<!tpu.dma_semaphore, #tpu.memory_space<semaphore_mem>>
      %dma_start3A = arith.constant 0 : i32
      %dma_start3A_11 = tpu.memref_slice %arg10[%mul3A_2, %dma_start3A] : memref<10000x128xf32, #tpu.memory_space<vmem_shared>> -> memref<625x128xf32, #tpu.memory_space<vmem_shared>>
      tpu.enqueue_dma source(%arg5 : memref<625x128xf32, #tpu.memory_space<hbm>>) target(%dma_start3A_11 : memref<625x128xf32, #tpu.memory_space<vmem_shared>>) target_semaphore(%run_scoped3A : memref<!tpu.dma_semaphore, #tpu.memory_space<semaphore_mem>>)
      %dma_wait3A = arith.constant 0 : i32
      %dma_wait3A_12 = tpu.memref_slice %arg10[%mul3A_2, %dma_wait3A] : memref<10000x128xf32, #tpu.memory_space<vmem_shared>> -> memref<625x128xf32, #tpu.memory_space<vmem_shared>>
      tpu.wait_dma2 semaphore(%run_scoped3A : memref<!tpu.dma_semaphore, #tpu.memory_space<semaphore_mem>>) src(%arg5 : memref<625x128xf32, #tpu.memory_space<hbm>>) dst(%dma_wait3A_12 : memref<625x128xf32, #tpu.memory_space<vmem_shared>>)
      tpu.yield
    }) : () -> ()
    %barrier3A = arith.constant 0 : index
    tpu.barrier barrier_id(%barrier3A)
    %scan3A = arith.constant 0 : i32
    %scan3A_3 = arith.constant 0 : i32
    %scan3A_4 = arith.constant 80 : i32
    %scan3A_5 = arith.addi %scan3A_3, %scan3A_4 : i32
    %scan3A_6 = arith.constant 1 : i32
    scf.for %scan3A_11 = %scan3A_3 to %scan3A_5 step %scan3A_6  : i32 {
      %dma_start3A = arith.constant 0 : i32
      %dma_start3A_12 = tpu.memref_slice %arg7[%scan3A_11, %dma_start3A] : memref<80x125xi32, #tpu.memory_space<vmem>> -> memref<1x125xi32, #tpu.memory_space<vmem>>
      %dma_start3A_13 = tpu.memref_squeeze %dma_start3A_12 : memref<1x125xi32, #tpu.memory_space<vmem>> -> memref<125xi32, #tpu.memory_space<vmem>>
      %dma_start3A_14 = arith.constant 0 : i32
      %dma_start3A_15 = arith.constant 0 : i32
      %dma_start3A_16 = tpu.memref_slice %arg2[%dma_start3A_14, %dma_start3A_15] : memref<10000x128xf32, #tpu.memory_space<hbm>> -> memref<10000x128xf32, #tpu.memory_space<hbm>>
      tpu.enqueue_indirect_dma source(%dma_start3A_16 : memref<10000x128xf32, #tpu.memory_space<hbm>>) target(%arg9 : memref<125x128xf32, #tpu.memory_space<vmem>>) offsets(%dma_start3A_13 : memref<125xi32, #tpu.memory_space<vmem>>) semaphore(%arg11 : memref<!tpu.dma_semaphore, #tpu.memory_space<semaphore_mem>>)
      %dma_wait3A = arith.constant 0 : i32
      %dma_wait3A_17 = tpu.memref_slice %arg7[%scan3A_11, %dma_wait3A] : memref<80x125xi32, #tpu.memory_space<vmem>> -> memref<1x125xi32, #tpu.memory_space<vmem>>
      %dma_wait3A_18 = tpu.memref_squeeze %dma_wait3A_17 : memref<1x125xi32, #tpu.memory_space<vmem>> -> memref<125xi32, #tpu.memory_space<vmem>>
      %dma_wait3A_19 = arith.constant 0 : i32
      %dma_wait3A_20 = arith.constant 0 : i32
      %dma_wait3A_21 = tpu.memref_slice %arg2[%dma_wait3A_19, %dma_wait3A_20] : memref<10000x128xf32, #tpu.memory_space<hbm>> -> memref<10000x128xf32, #tpu.memory_space<hbm>>
      tpu.wait_indirect_dma semaphore(%arg11 : memref<!tpu.dma_semaphore, #tpu.memory_space<semaphore_mem>>) src(%dma_wait3A_21 : memref<10000x128xf32, #tpu.memory_space<hbm>>) dst(%arg9 : memref<125x128xf32, #tpu.memory_space<vmem>>)
      "tpu.region"() ({
        %run_scoped3A = tpu.sem_alloc : memref<!tpu.dma_semaphore, #tpu.memory_space<semaphore_mem>>
        %dma_start3A_22 = arith.constant 0 : i32
        %dma_start3A_23 = tpu.memref_slice %arg8[%scan3A_11, %dma_start3A_22] : memref<80x125xi32, #tpu.memory_space<vmem>> -> memref<1x125xi32, #tpu.memory_space<vmem>>
        %dma_start3A_24 = tpu.memref_squeeze %dma_start3A_23 : memref<1x125xi32, #tpu.memory_space<vmem>> -> memref<125xi32, #tpu.memory_space<vmem>>
        %dma_start3A_25 = arith.constant 0 : i32
        %dma_start3A_26 = arith.constant 0 : i32
        %dma_start3A_27 = tpu.memref_slice %arg10[%dma_start3A_25, %dma_start3A_26] : memref<10000x128xf32, #tpu.memory_space<vmem_shared>> -> memref<10000x128xf32, #tpu.memory_space<vmem_shared>>
        tpu.enqueue_indirect_dma source(%arg9 : memref<125x128xf32, #tpu.memory_space<vmem>>) target(%dma_start3A_27 : memref<10000x128xf32, #tpu.memory_space<vmem_shared>>) offsets(%dma_start3A_24 : memref<125xi32, #tpu.memory_space<vmem>>) semaphore(%run_scoped3A : memref<!tpu.dma_semaphore, #tpu.memory_space<semaphore_mem>>) {add = true}
        %dma_wait3A_28 = arith.constant 0 : i32
        %dma_wait3A_29 = tpu.memref_slice %arg8[%scan3A_11, %dma_wait3A_28] : memref<80x125xi32, #tpu.memory_space<vmem>> -> memref<1x125xi32, #tpu.memory_space<vmem>>
        %dma_wait3A_30 = tpu.memref_squeeze %dma_wait3A_29 : memref<1x125xi32, #tpu.memory_space<vmem>> -> memref<125xi32, #tpu.memory_space<vmem>>
        %dma_wait3A_31 = arith.constant 0 : i32
        %dma_wait3A_32 = arith.constant 0 : i32
        %dma_wait3A_33 = tpu.memref_slice %arg10[%dma_wait3A_31, %dma_wait3A_32] : memref<10000x128xf32, #tpu.memory_space<vmem_shared>> -> memref<10000x128xf32, #tpu.memory_space<vmem_shared>>
        tpu.wait_indirect_dma semaphore(%run_scoped3A : memref<!tpu.dma_semaphore, #tpu.memory_space<semaphore_mem>>) src(%arg9 : memref<125x128xf32, #tpu.memory_space<vmem>>) dst(%dma_wait3A_33 : memref<10000x128xf32, #tpu.memory_space<vmem_shared>>)
        tpu.yield
      }) : () -> ()
    }
    %scan3A_7 = arith.constant 80 : i32
    %barrier3A_8 = arith.constant 0 : index
    tpu.barrier barrier_id(%barrier3A_8)
    %mul3A_9 = arith.constant 625 : i32
    %mul3A_10 = arith.muli %arg1, %mul3A_9 : i32
    "tpu.region"() ({
      %run_scoped3A = tpu.sem_alloc : memref<!tpu.dma_semaphore, #tpu.memory_space<semaphore_mem>>
      %dma_start3A = arith.constant 0 : i32
      %dma_start3A_11 = arith.constant 0 : i32
      %dma_start3A_12 = arith.constant 0 : i32
      %dma_start3A_13 = tpu.memref_slice %arg6[%arg0, %dma_start3A, %dma_start3A_11, %dma_start3A_12] : memref<2x16x625x128xf32, #tpu.memory_space<hbm>> -> memref<1x16x625x128xf32, #tpu.memory_space<hbm>>
      %dma_start3A_14 = tpu.memref_squeeze %dma_start3A_13 : memref<1x16x625x128xf32, #tpu.memory_space<hbm>> -> memref<16x625x128xf32, #tpu.memory_space<hbm>>
      %dma_start3A_15 = arith.constant 0 : i32
      %dma_start3A_16 = arith.constant 0 : i32
      %dma_start3A_17 = tpu.memref_slice %dma_start3A_14[%arg1, %dma_start3A_15, %dma_start3A_16] : memref<16x625x128xf32, #tpu.memory_space<hbm>> -> memref<1x625x128xf32, #tpu.memory_space<hbm>>
      %dma_start3A_18 = tpu.memref_squeeze %dma_start3A_17 : memref<1x625x128xf32, #tpu.memory_space<hbm>> -> memref<625x128xf32, #tpu.memory_space<hbm>>
      %dma_start3A_19 = arith.constant 0 : i32
      %dma_start3A_20 = tpu.memref_slice %arg10[%mul3A_10, %dma_start3A_19] : memref<10000x128xf32, #tpu.memory_space<vmem_shared>> -> memref<625x128xf32, #tpu.memory_space<vmem_shared>>
      tpu.enqueue_dma source(%dma_start3A_20 : memref<625x128xf32, #tpu.memory_space<vmem_shared>>) target(%dma_start3A_18 : memref<625x128xf32, #tpu.memory_space<hbm>>) target_semaphore(%run_scoped3A : memref<!tpu.dma_semaphore, #tpu.memory_space<semaphore_mem>>)
      %dma_wait3A = arith.constant 0 : i32
      %dma_wait3A_21 = arith.constant 0 : i32
      %dma_wait3A_22 = arith.constant 0 : i32
      %dma_wait3A_23 = tpu.memref_slice %arg6[%arg0, %dma_wait3A, %dma_wait3A_21, %dma_wait3A_22] : memref<2x16x625x128xf32, #tpu.memory_space<hbm>> -> memref<1x16x625x128xf32, #tpu.memory_space<hbm>>
      %dma_wait3A_24 = tpu.memref_squeeze %dma_wait3A_23 : memref<1x16x625x128xf32, #tpu.memory_space<hbm>> -> memref<16x625x128xf32, #tpu.memory_space<hbm>>
      %dma_wait3A_25 = arith.constant 0 : i32
      %dma_wait3A_26 = arith.constant 0 : i32
      %dma_wait3A_27 = tpu.memref_slice %dma_wait3A_24[%arg1, %dma_wait3A_25, %dma_wait3A_26] : memref<16x625x128xf32, #tpu.memory_space<hbm>> -> memref<1x625x128xf32, #tpu.memory_space<hbm>>
      %dma_wait3A_28 = tpu.memref_squeeze %dma_wait3A_27 : memref<1x625x128xf32, #tpu.memory_space<hbm>> -> memref<625x128xf32, #tpu.memory_space<hbm>>
      %dma_wait3A_29 = arith.constant 0 : i32
      %dma_wait3A_30 = tpu.memref_slice %arg10[%mul3A_10, %dma_wait3A_29] : memref<10000x128xf32, #tpu.memory_space<vmem_shared>> -> memref<625x128xf32, #tpu.memory_space<vmem_shared>>
      tpu.wait_dma2 semaphore(%run_scoped3A : memref<!tpu.dma_semaphore, #tpu.memory_space<semaphore_mem>>) src(%dma_wait3A_30 : memref<625x128xf32, #tpu.memory_space<vmem_shared>>) dst(%dma_wait3A_28 : memref<625x128xf32, #tpu.memory_space<hbm>>)
      tpu.yield
    }) : () -> ()
    return
  }
}

module attributes {stable_mosaic.version = 14 : i64} {
  func.func @_mm1_body(%arg0: i32, %arg1: memref<1000x128xf32, #tpu.memory_space<vmem>>, %arg2: memref<128x128xf32, #tpu.memory_space<vmem>>, %arg3: memref<1000x32xf32, #tpu.memory_space<vmem>>, %arg4: memref<1000x128xf32, #tpu.memory_space<vmem>>) attributes {dimension_semantics = [#tpu.dimension_semantics<arbitrary>], iteration_bounds = array<i64: 10>, scalar_prefetch = 0 : i64, scratch_operands = 0 : i64, tpu.core_type = #tpu.core_type<tc>, window_params = [{transform_indices = @transform_0, window_bounds = array<i64: 1000, 128>}, {pipeline_mode = #tpu.pipeline_mode<synchronous>, transform_indices = @transform_1, window_bounds = array<i64: 128, 128>}, {transform_indices = @transform_2, window_bounds = array<i64: 1000, 32>}, {transform_indices = @transform_3, window_bounds = array<i64: 1000, 128>}]} {
    %get3A = arith.constant 0 : index
    %get3A_0 = arith.constant 0 : index
    %get3A_1 = vector.load %arg1[%get3A, %get3A_0] : memref<1000x128xf32, #tpu.memory_space<vmem>>, vector<1000x128xf32>
    %get3A_2 = arith.constant 0 : index
    %get3A_3 = arith.constant 0 : index
    %get3A_4 = vector.load %arg2[%get3A_2, %get3A_3] : memref<128x128xf32, #tpu.memory_space<vmem>>, vector<128x128xf32>
    %dot_general3A = arith.constant dense<0.000000e+00> : vector<1000x128xf32>
    %dot_general3A_5 = tpu.matmul %get3A_1, %get3A_4, %dot_general3A {dimension_numbers = #tpu.dot_dimension_numbers<[1], [0], [0], [1], [0, 0, 1, 1], [], []>, transpose_lhs_hint = false} : vector<1000x128xf32>, vector<128x128xf32>, vector<1000x128xf32> -> vector<1000x128xf32>
    %get3A_6 = arith.constant 0 : index
    %get3A_7 = arith.constant 0 : index
    %get3A_8 = vector.load %arg3[%get3A_6, %get3A_7] : memref<1000x32xf32, #tpu.memory_space<vmem>>, vector<1000x32xf32>
    %reduce_sum3A = arith.constant dense<0.000000e+00> : vector<1000xf32>
    %reduce_sum3A_9 = vector.multi_reduction <add>, %get3A_8, %reduce_sum3A [1] : vector<1000x32xf32> to vector<1000xf32>
    %broadcast_in_dim3A = vector.shape_cast %reduce_sum3A_9 : vector<1000xf32> to vector<1000x1xf32>
    %add3A = arith.constant 1.000000e+00 : f32
    %add3A_10 = vector.broadcast %add3A : f32 to vector<1000x1xf32>
    %add3A_11 = arith.addf %add3A_10, %broadcast_in_dim3A : vector<1000x1xf32>
    %rsqrt3A = math.rsqrt %add3A_11 : vector<1000x1xf32>
    %mul3A = vector.broadcast %rsqrt3A : vector<1000x1xf32> to vector<1000x128xf32>
    %mul3A_12 = arith.mulf %mul3A, %dot_general3A_5 : vector<1000x128xf32>
    %swap3A = arith.constant 0 : index
    %swap3A_13 = arith.constant 0 : index
    %swap3A_14 = vector.load %arg4[%swap3A, %swap3A_13] : memref<1000x128xf32, #tpu.memory_space<vmem>>, vector<1000x128xf32>
    tpu.vector_store %arg4[%swap3A, %swap3A_13], %mul3A_12 {strides = array<i32>} : memref<1000x128xf32, #tpu.memory_space<vmem>>, vector<1000x128xf32>,
    return
  }
  func.func @transform_0(%arg0: i32) -> (i32, i32) {
    %c0_i32 = arith.constant 0 : i32
    %c0_i32_0 = arith.constant 0 : i32
    return %arg0, %c0_i32 : i32, i32
  }
  func.func @transform_1(%arg0: i32) -> (i32, i32) {
    %c0_i32 = arith.constant 0 : i32
    %c0_i32_0 = arith.constant 0 : i32
    %c0_i32_1 = arith.constant 0 : i32
    return %c0_i32, %c0_i32_0 : i32, i32
  }
  func.func @transform_2(%arg0: i32) -> (i32, i32) {
    %c0_i32 = arith.constant 0 : i32
    %c0_i32_0 = arith.constant 0 : i32
    return %arg0, %c0_i32 : i32, i32
  }
  func.func @transform_3(%arg0: i32) -> (i32, i32) {
    %c0_i32 = arith.constant 0 : i32
    %c0_i32_0 = arith.constant 0 : i32
    return %arg0, %c0_i32 : i32, i32
  }
}

module attributes {stable_mosaic.version = 14 : i64} {
  func.func @_mid_body(%arg0: i32, %arg1: memref<2x1000x128xf32, #tpu.memory_space<vmem>>, %arg2: memref<1000x128xf32, #tpu.memory_space<vmem>>, %arg3: memref<1000x32xf32, #tpu.memory_space<vmem>>, %arg4: memref<1x128xf32, #tpu.memory_space<vmem>>, %arg5: memref<128x128xf32, #tpu.memory_space<vmem>>, %arg6: memref<1000x128xf32, #tpu.memory_space<vmem>>) attributes {dimension_semantics = [#tpu.dimension_semantics<arbitrary>], iteration_bounds = array<i64: 10>, scalar_prefetch = 0 : i64, scratch_operands = 0 : i64, tpu.core_type = #tpu.core_type<tc>, window_params = [{transform_indices = @transform_0, window_bounds = array<i64: 2, 1000, 128>}, {transform_indices = @transform_1, window_bounds = array<i64: 1000, 128>}, {transform_indices = @transform_2, window_bounds = array<i64: 1000, 32>}, {pipeline_mode = #tpu.pipeline_mode<synchronous>, transform_indices = @transform_3, window_bounds = array<i64: 1, 128>}, {pipeline_mode = #tpu.pipeline_mode<synchronous>, transform_indices = @transform_4, window_bounds = array<i64: 128, 128>}, {transform_indices = @transform_5, window_bounds = array<i64: 1000, 128>}]} {
    %get3A = arith.constant 0 : index
    %get3A_0 = arith.constant 0 : index
    %get3A_1 = vector.load %arg3[%get3A, %get3A_0] : memref<1000x32xf32, #tpu.memory_space<vmem>>, vector<1000x32xf32>
    %reduce_sum3A = arith.constant dense<0.000000e+00> : vector<1000xf32>
    %reduce_sum3A_2 = vector.multi_reduction <add>, %get3A_1, %reduce_sum3A [1] : vector<1000x32xf32> to vector<1000xf32>
    %broadcast_in_dim3A = vector.shape_cast %reduce_sum3A_2 : vector<1000xf32> to vector<1000x1xf32>
    %add3A = arith.constant 1.000000e+00 : f32
    %add3A_3 = vector.broadcast %add3A : f32 to vector<1000x1xf32>
    %add3A_4 = arith.addf %add3A_3, %broadcast_in_dim3A : vector<1000x1xf32>
    %rsqrt3A = math.rsqrt %add3A_4 : vector<1000x1xf32>
    %get3A_5 = arith.constant 0 : index
    %get3A_6 = arith.constant 0 : index
    %get3A_7 = arith.constant 0 : index
    %get3A_8 = vector.load %arg1[%get3A_5, %get3A_6, %get3A_7] : memref<2x1000x128xf32, #tpu.memory_space<vmem>>, vector<1x1000x128xf32>
    %get3A_9 = vector.shape_cast %get3A_8 : vector<1x1000x128xf32> to vector<1000x128xf32>
    %get3A_10 = arith.constant 1 : index
    %get3A_11 = arith.constant 0 : index
    %get3A_12 = arith.constant 0 : index
    %get3A_13 = vector.load %arg1[%get3A_10, %get3A_11, %get3A_12] : memref<2x1000x128xf32, #tpu.memory_space<vmem>>, vector<1x1000x128xf32>
    %get3A_14 = vector.shape_cast %get3A_13 : vector<1x1000x128xf32> to vector<1000x128xf32>
    %add3A_15 = arith.addf %get3A_9, %get3A_14 : vector<1000x128xf32>
    %get3A_16 = arith.constant 0 : index
    %get3A_17 = arith.constant 0 : index
    %get3A_18 = vector.load %arg2[%get3A_16, %get3A_17] : memref<1000x128xf32, #tpu.memory_space<vmem>>, vector<1000x128xf32>
    %add3A_19 = arith.addf %add3A_15, %get3A_18 : vector<1000x128xf32>
    %mul3A = vector.broadcast %rsqrt3A : vector<1000x1xf32> to vector<1000x128xf32>
    %mul3A_20 = arith.mulf %mul3A, %add3A_19 : vector<1000x128xf32>
    %get3A_21 = arith.constant 0 : index
    %get3A_22 = arith.constant 0 : index
    %get3A_23 = vector.load %arg4[%get3A_21, %get3A_22] : memref<1x128xf32, #tpu.memory_space<vmem>>, vector<1x128xf32>
    %add3A_24 = vector.broadcast %get3A_23 : vector<1x128xf32> to vector<1000x128xf32>
    %add3A_25 = arith.addf %mul3A_20, %add3A_24 : vector<1000x128xf32>
    %max3A = arith.constant 0.000000e+00 : f32
    %max3A_26 = vector.broadcast %max3A : f32 to vector<1000x128xf32>
    %max3A_27 = arith.maximumf %add3A_25, %max3A_26 : vector<1000x128xf32>
    %get3A_28 = arith.constant 0 : index
    %get3A_29 = arith.constant 0 : index
    %get3A_30 = vector.load %arg5[%get3A_28, %get3A_29] : memref<128x128xf32, #tpu.memory_space<vmem>>, vector<128x128xf32>
    %dot_general3A = arith.constant dense<0.000000e+00> : vector<1000x128xf32>
    %dot_general3A_31 = tpu.matmul %max3A_27, %get3A_30, %dot_general3A {dimension_numbers = #tpu.dot_dimension_numbers<[1], [0], [0], [1], [0, 0, 1, 1], [], []>, transpose_lhs_hint = false} : vector<1000x128xf32>, vector<128x128xf32>, vector<1000x128xf32> -> vector<1000x128xf32>
    %mul3A_32 = vector.broadcast %rsqrt3A : vector<1000x1xf32> to vector<1000x128xf32>
    %mul3A_33 = arith.mulf %mul3A_32, %dot_general3A_31 : vector<1000x128xf32>
    %swap3A = arith.constant 0 : index
    %swap3A_34 = arith.constant 0 : index
    %swap3A_35 = vector.load %arg6[%swap3A, %swap3A_34] : memref<1000x128xf32, #tpu.memory_space<vmem>>, vector<1000x128xf32>
    tpu.vector_store %arg6[%swap3A, %swap3A_34], %mul3A_33 {strides = array<i32>} : memref<1000x128xf32, #tpu.memory_space<vmem>>, vector<1000x128xf32>,
    return
  }
  func.func @transform_0(%arg0: i32) -> (i32, i32, i32) {
    %c0_i32 = arith.constant 0 : i32
    %c0_i32_0 = arith.constant 0 : i32
    %c0_i32_1 = arith.constant 0 : i32
    return %c0_i32, %arg0, %c0_i32_0 : i32, i32, i32
  }
  func.func @transform_1(%arg0: i32) -> (i32, i32) {
    %c0_i32 = arith.constant 0 : i32
    %c0_i32_0 = arith.constant 0 : i32
    return %arg0, %c0_i32 : i32, i32
  }
  func.func @transform_2(%arg0: i32) -> (i32, i32) {
    %c0_i32 = arith.constant 0 : i32
    %c0_i32_0 = arith.constant 0 : i32
    return %arg0, %c0_i32 : i32, i32
  }
  func.func @transform_3(%arg0: i32) -> (i32, i32) {
    %c0_i32 = arith.constant 0 : i32
    %c0_i32_0 = arith.constant 0 : i32
    %c0_i32_1 = arith.constant 0 : i32
    return %c0_i32, %c0_i32_0 : i32, i32
  }
  func.func @transform_4(%arg0: i32) -> (i32, i32) {
    %c0_i32 = arith.constant 0 : i32
    %c0_i32_0 = arith.constant 0 : i32
    %c0_i32_1 = arith.constant 0 : i32
    return %c0_i32, %c0_i32_0 : i32, i32
  }
  func.func @transform_5(%arg0: i32) -> (i32, i32) {
    %c0_i32 = arith.constant 0 : i32
    %c0_i32_0 = arith.constant 0 : i32
    return %arg0, %c0_i32 : i32, i32
  }
}

module attributes {stable_mosaic.version = 14 : i64} {
  func.func @_fin_body(%arg0: i32, %arg1: memref<2x1000x128xf32, #tpu.memory_space<vmem>>, %arg2: memref<1000x128xf32, #tpu.memory_space<vmem>>, %arg3: memref<1000x32xf32, #tpu.memory_space<vmem>>, %arg4: memref<1x128xf32, #tpu.memory_space<vmem>>, %arg5: memref<1000x128xf32, #tpu.memory_space<vmem>>) attributes {dimension_semantics = [#tpu.dimension_semantics<arbitrary>], iteration_bounds = array<i64: 10>, scalar_prefetch = 0 : i64, scratch_operands = 0 : i64, tpu.core_type = #tpu.core_type<tc>, window_params = [{transform_indices = @transform_0, window_bounds = array<i64: 2, 1000, 128>}, {transform_indices = @transform_1, window_bounds = array<i64: 1000, 128>}, {transform_indices = @transform_2, window_bounds = array<i64: 1000, 32>}, {pipeline_mode = #tpu.pipeline_mode<synchronous>, transform_indices = @transform_3, window_bounds = array<i64: 1, 128>}, {transform_indices = @transform_4, window_bounds = array<i64: 1000, 128>}]} {
    %get3A = arith.constant 0 : index
    %get3A_0 = arith.constant 0 : index
    %get3A_1 = vector.load %arg3[%get3A, %get3A_0] : memref<1000x32xf32, #tpu.memory_space<vmem>>, vector<1000x32xf32>
    %reduce_sum3A = arith.constant dense<0.000000e+00> : vector<1000xf32>
    %reduce_sum3A_2 = vector.multi_reduction <add>, %get3A_1, %reduce_sum3A [1] : vector<1000x32xf32> to vector<1000xf32>
    %broadcast_in_dim3A = vector.shape_cast %reduce_sum3A_2 : vector<1000xf32> to vector<1000x1xf32>
    %add3A = arith.constant 1.000000e+00 : f32
    %add3A_3 = vector.broadcast %add3A : f32 to vector<1000x1xf32>
    %add3A_4 = arith.addf %add3A_3, %broadcast_in_dim3A : vector<1000x1xf32>
    %rsqrt3A = math.rsqrt %add3A_4 : vector<1000x1xf32>
    %get3A_5 = arith.constant 0 : index
    %get3A_6 = arith.constant 0 : index
    %get3A_7 = arith.constant 0 : index
    %get3A_8 = vector.load %arg1[%get3A_5, %get3A_6, %get3A_7] : memref<2x1000x128xf32, #tpu.memory_space<vmem>>, vector<1x1000x128xf32>
    %get3A_9 = vector.shape_cast %get3A_8 : vector<1x1000x128xf32> to vector<1000x128xf32>
    %get3A_10 = arith.constant 1 : index
    %get3A_11 = arith.constant 0 : index
    %get3A_12 = arith.constant 0 : index
    %get3A_13 = vector.load %arg1[%get3A_10, %get3A_11, %get3A_12] : memref<2x1000x128xf32, #tpu.memory_space<vmem>>, vector<1x1000x128xf32>
    %get3A_14 = vector.shape_cast %get3A_13 : vector<1x1000x128xf32> to vector<1000x128xf32>
    %add3A_15 = arith.addf %get3A_9, %get3A_14 : vector<1000x128xf32>
    %get3A_16 = arith.constant 0 : index
    %get3A_17 = arith.constant 0 : index
    %get3A_18 = vector.load %arg2[%get3A_16, %get3A_17] : memref<1000x128xf32, #tpu.memory_space<vmem>>, vector<1000x128xf32>
    %add3A_19 = arith.addf %add3A_15, %get3A_18 : vector<1000x128xf32>
    %mul3A = vector.broadcast %rsqrt3A : vector<1000x1xf32> to vector<1000x128xf32>
    %mul3A_20 = arith.mulf %mul3A, %add3A_19 : vector<1000x128xf32>
    %get3A_21 = arith.constant 0 : index
    %get3A_22 = arith.constant 0 : index
    %get3A_23 = vector.load %arg4[%get3A_21, %get3A_22] : memref<1x128xf32, #tpu.memory_space<vmem>>, vector<1x128xf32>
    %add3A_24 = vector.broadcast %get3A_23 : vector<1x128xf32> to vector<1000x128xf32>
    %add3A_25 = arith.addf %mul3A_20, %add3A_24 : vector<1000x128xf32>
    %swap3A = arith.constant 0 : index
    %swap3A_26 = arith.constant 0 : index
    %swap3A_27 = vector.load %arg5[%swap3A, %swap3A_26] : memref<1000x128xf32, #tpu.memory_space<vmem>>, vector<1000x128xf32>
    tpu.vector_store %arg5[%swap3A, %swap3A_26], %add3A_25 {strides = array<i32>} : memref<1000x128xf32, #tpu.memory_space<vmem>>, vector<1000x128xf32>,
    return
  }
  func.func @transform_0(%arg0: i32) -> (i32, i32, i32) {
    %c0_i32 = arith.constant 0 : i32
    %c0_i32_0 = arith.constant 0 : i32
    %c0_i32_1 = arith.constant 0 : i32
    return %c0_i32, %arg0, %c0_i32_0 : i32, i32, i32
  }
  func.func @transform_1(%arg0: i32) -> (i32, i32) {
    %c0_i32 = arith.constant 0 : i32
    %c0_i32_0 = arith.constant 0 : i32
    return %arg0, %c0_i32 : i32, i32
  }
  func.func @transform_2(%arg0: i32) -> (i32, i32) {
    %c0_i32 = arith.constant 0 : i32
    %c0_i32_0 = arith.constant 0 : i32
    return %arg0, %c0_i32 : i32, i32
  }
  func.func @transform_3(%arg0: i32) -> (i32, i32) {
    %c0_i32 = arith.constant 0 : i32
    %c0_i32_0 = arith.constant 0 : i32
    %c0_i32_1 = arith.constant 0 : i32
    return %c0_i32, %c0_i32_0 : i32, i32
  }
  func.func @transform_4(%arg0: i32) -> (i32, i32) {
    %c0_i32 = arith.constant 0 : i32
    %c0_i32_0 = arith.constant 0 : i32
    return %arg0, %c0_i32 : i32, i32
  }
}

</mosaic_0001>

<sc_bundles>
// kernel: kernel.11.cloned.1.call-start
scs
__scs_entry_jumppad:
0x0: {  	(pc) =	sbr.rel $0x88, $3  }
0x1: {  	(tag) =	ssettag $0x0;
	lr =	simm.s32 $0x1  }
0x2: {  	[smem:$0x3F9B] =	sst lr;
	_ =	strace $0xD0000000  }
0x3: {  	_ = 	snop  }
0x4: {  	_ = 	snop  }
0x5: {  	_ = 	snop  }
0x6: {  	_ = 	snop  }
0x7: {  	_ = 	snop  }
__scs_overlays_trampoline_lowered:
0x8: {  	[smem:$0x3FAA] =	sst s0  }
0x9: {  	[smem:$0x3FAB] =	sst s1  }
0xa: {  	[smem:$0x3FAC] =	sst s2  }
0xb: {  	[smem:$0x3FAD] =	sst s3  }
0xc: {  	[smem:$0x3FAE] =	sst s4  }
0xd: {  	[smem:$0x3FAF] =	sst s5  }
0xe: {  	[smem:$0x3FB0] =	sst s6  }
0xf: {  	[smem:$0x3FB1] =	sst s7  }
0x10: {  	[smem:$0x3FB2] =	sst s8  }
0x11: {  	[smem:$0x3FB3] =	sst s9;
	s0 =	simm.s32 @!p0 $0x0  }
0x12: {  	s1 =	sld [smem:$0x3F99];
	s0 =	simm.s32 @p0 $0x1  }
0x13: {  	[smem:$0x3FB4] =	sst s0;
	s0 =	simm.s32 @!p1 $0x0  }
0x14: {  	s2 =	sld [smem:$0x3F98];
	s0 =	simm.s32 @p1 $0x1  }
0x15: {  	[smem:$0x3FB5] =	sst s0;
	s0 =	simm.s32 @!p2 $0x0  }
0x16: {  	s3 =	sld [smem:$0x3FDB];
	s0 =	simm.s32 @p2 $0x1  }
0x17: {  	s4 =	simm.s32 $0x1BF5;
	[smem:$0x3FB7] =	sst s0  }
0x18: {  	s0 =	sld [smem:$0x3F9A];
	_ =	swait.ge [sflag:s4], $0x0  }
0x19: {  	s7 =	sld [smem:$0x3F9B]  }
0x1a: {  	s8 =	sadd.s32 $0xFFFFE003, lr  }
0x1b: {  	s9 =	sadd.s32 $0xFFFFFEF7, lr;
	s5 =	simm.s32 $0xFFFFFFFF;
	p2 =	slt.u32 s8, $0xFFFFF086  }
0x1c: {  	p1 =	slt.u32 s9, $0xF7A;
	s5 =	simm.s32 @!p2 $0x0  }
0x1d: {  	s5 =	simm.s32 @p1 $0x1;
	p0 =	seq.s32 s7, s2  }
0x1e: {  	s7 =	smul.u32 @!p0 $0xF7A, s2;
	p2 =	seq.s32 @!p0 s5, $0x0  }
0x1f: {  	s9 =	smul.u32 $0xF7A, s1;
	s8 =	simm.s32 @!p0 $0x1BF5;
	p2 =	por !p2, p0  }
0x20: {  	[sflag:s8] =	ssyncset.s32 @!p0 $0xFFFFF086;
	s6 =	sadd.s32 @!p0 s3, s7;
	s7 =	simm.s32 @!p0 $0x108  }
0x21: {  	s3 =	sadd.s32 s3, s9;
	s6 =	sadd.s32 @!p0 $0x88, s6;
	s7 =	simm.s32 @p2 $0x1082  }
0x22: {  	[simem:s7], [sflag:s8] =	dma.local @!p0 [hbm:s6], $0xF7A  }
0x23: {  	s9 =	sor.u32 $0xD0000000, s2;
	s6 =	simm.s32 $0x108;
	_ =	swait.ge @!p0 [sflag:s8], $0x0  }
0x24: {  	s3 =	sadd.s32 $0x88, s3;
	s6 =	simm.s32 @!p1 $0x1082;
	[sflag:s4] =	ssyncset.s32 $0xFFFFF086  }
0x25: {  	[simem:s6], [sflag:s4] =	dma.local [hbm:s3], $0xF7A  }
0x26: {  	[smem:$0x3F9B] =	sst s1;
	(tag) =	ssettag s2;
	_ =	strace s9  }
0x27: {  	s1 =	sld [smem:$0x3FAB]  }
0x28: {  	s2 =	sld [smem:$0x3FAC]  }
0x29: {  	s4 =	sld [smem:$0x3FAE]  }
0x2a: {  	p0 =	seq.s32 s5, $0x0;
	s5 =	sld [smem:$0x3FAF]  }
0x2b: {  	s6 =	sld [smem:$0x3FB0]  }
0x2c: {  	s7 =	sld [smem:$0x3FB1]  }
0x2d: {  	s3 =	simm.s32 $0x108;
	s8 =	sld [smem:$0x3FB2]  }
0x2e: {  	s3 =	simm.s32 @!p0 $0x1082;
	s9 =	sld [smem:$0x3FB3]  }
0x2f: {  	lr =	sadd.s32 s0, s3;
	s0 =	sld [smem:$0x3FAA]  }
0x30: {  	s3 =	sld [smem:$0x3FAD]  }
0x31: {  	[smem:$0x3FB6] =	sst s10  }
0x32: {  	s10 =	sld [smem:$0x3FB4];
	_ =	sdelay $0x3  }
0x33: {  	p0 =	seq.s32 s10, $0x1;
	s10 =	sld [smem:$0x3FB6];
	_ =	sdelay $0x3  }
0x34: {  	[smem:$0x3FB6] =	sst s10  }
0x35: {  	s10 =	sld [smem:$0x3FB5];
	_ =	sdelay $0x3  }
0x36: {  	p1 =	seq.s32 s10, $0x1;
	s10 =	sld [smem:$0x3FB6];
	_ =	sdelay $0x3  }
0x37: {  	[smem:$0x3FB6] =	sst s10  }
0x38: {  	s10 =	sld [smem:$0x3FB7]  }
0x39: {  	_ = 	snop;
	(pc) =	sbr.ind lr, $3  }
0x3a: {  	_ = 	snop  }
0x3b: {  	_ = 	snop  }
0x3c: {  	p2 =	seq.s32 s10, $0x1;
	s10 =	sld [smem:$0x3FB6]  }
0x3d: {  	_ =	shalt  }
0x3e: {  	_ =	shalt  }
0x3f: {  	_ =	shalt  }
0x40: {  	_ =	shalt  }
0x41: {  	_ =	shalt  }
0x42: {  	_ =	shalt  }
0x43: {  	_ =	shalt  }
0x44: {  	_ =	shalt  }
0x45: {  	_ =	shalt  }
0x46: {  	_ =	shalt  }
0x47: {  	_ =	shalt  }
0x48: {  	_ =	shalt  }
0x49: {  	_ =	shalt  }
0x4a: {  	_ =	shalt  }
0x4b: {  	_ =	shalt  }
0x4c: {  	_ =	shalt  }
0x4d: {  	_ =	shalt  }
0x4e: {  	_ =	shalt  }
0x4f: {  	_ =	shalt  }
0x50: {  	_ =	shalt  }
0x51: {  	_ =	shalt  }
0x52: {  	_ =	shalt  }
0x53: {  	_ =	shalt  }
0x54: {  	_ =	shalt  }
0x55: {  	_ =	shalt  }
0x56: {  	_ =	shalt  }
0x57: {  	_ =	shalt  }
0x58: {  	_ =	shalt  }
0x59: {  	_ =	shalt  }
0x5a: {  	_ =	shalt  }
0x5b: {  	_ =	shalt  }
0x5c: {  	_ =	shalt  }
0x5d: {  	_ =	shalt  }
0x5e: {  	_ =	shalt  }
0x5f: {  	_ =	shalt  }
0x60: {  	_ =	shalt  }
0x61: {  	_ =	shalt  }
0x62: {  	_ =	shalt  }
0x63: {  	_ =	shalt  }
0x64: {  	_ =	shalt  }
0x65: {  	_ =	shalt  }
0x66: {  	_ =	shalt  }
0x67: {  	_ =	shalt  }
0x68: {  	_ =	shalt  }
0x69: {  	_ =	shalt  }
0x6a: {  	_ =	shalt  }
0x6b: {  	_ =	shalt  }
0x6c: {  	_ =	shalt  }
0x6d: {  	_ =	shalt  }
0x6e: {  	_ =	shalt  }
0x6f: {  	_ =	shalt  }
0x70: {  	_ =	shalt  }
0x71: {  	_ =	shalt  }
0x72: {  	_ =	shalt  }
0x73: {  	_ =	shalt  }
0x74: {  	_ =	shalt  }
0x75: {  	_ =	shalt  }
0x76: {  	_ =	shalt  }
0x77: {  	_ =	shalt  }
0x78: {  	_ =	shalt  }
0x79: {  	_ =	shalt  }
0x7a: {  	_ =	shalt  }
0x7b: {  	_ =	shalt  }
0x7c: {  	_ =	shalt  }
0x7d: {  	_ =	shalt  }
0x7e: {  	_ =	shalt  }
0x7f: {  	_ =	shalt  }
0x80: {  	_ =	shalt  }
0x81: {  	_ =	shalt  }
0x82: {  	_ =	shalt  }
0x83: {  	_ =	shalt  }
0x84: {  	_ =	shalt  }
0x85: {  	_ =	shalt  }
0x86: {  	_ =	shalt  }
0x87: {  	_ =	shalt  }
.Lfunc_end0:
.L_simem_size_0:
called_computation.1_lowered:
.L_overlay_start_0:
0x88: {  	s2 =	sld [smem:$0x3FD9]  }
0x89: {  	s3 =	sld [smem:$0x3FFE];
	_ =	sdelay $0x1  }
0x8a: {  	s1 =	srdreg.scid  }
0x8b: {  	s0 =	sand.u32 $0x1, s1  }
0x8c: {  	s17 =	sshll.u32 s0, $0xA;
	s2 =	sadd.s32 s3, s2  }
0x8d: {  	s2 =	sadd.s32 s2, s17  }
0x8e: {  	[smem:$0x3FC2] =	sst s2  }
0x8f: {  	_ = 	snop  }
0x90: {  	s2 =	sld [smem:$0x3FD0];
	(tm) =	ssettm $0x1  }
0x91: {  	s18 =	sld [smem:$0x3FFB];
	_ =	sdelay $0x3  }
0x92: {  	_ =	strace s18  }
0x93: {  	s3 =	sld [smem:$0x3FFC];
	_ =	sdelay $0x3  }
0x94: {  	_ =	strace s3  }
0x95: {  	s3 =	sld [smem:$0x3FFD];
	_ =	sdelay $0x3  }
0x96: {  	_ =	strace s3  }
0x97: {  	_ =	strace $0x8FFFFFFF  }
0x98: {  	s19 =	sld [smem:$0x3FDB];
	_ =	sdelay $0x1  }
0x99: {  	s4 =	simm.s32 $_scs_section_size  }
0x9a: {  	s5 =	simm.s32 $_size__tile_overlayer_lowered;
	s6 =	simm.s32 $_tile_overlayer_lowered  }
0x9b: {  	s22 =	simm.s32 $0x1BFF;
	s21 =	sshll.u32 s6, $0x1;
	s3 =	sadd.s32 s4, s19  }
0x9c: {  	s7 =	simm.s32 $0x0;
	s20 =	sshll.u32 s5, $0x1;
	s5 =	sadd.s32 s21, s3  }
0x9d: {  	[timem:s7], [sflag:s22] =	dma.local [hbm:s5], s20  }
0x9e: {  	_ =	swait.ge [sflag:s22], s20  }
0x9f: {  	s4 =	ssub.s32 $0x0, s20;
	[sflag:s22] =	ssyncset.done $0x0  }
0xa0: {  	[sflag:s22] =	ssyncadd.s32 s4;
	_ =	sdelay $0x1  }
0xa1: {  	s23 =	simm.s32 $0x1B8B  }
0xa2: {  	_ =	swait.ge [sflag:s23], $0x1  }
0xa3: {  	[sflag:s23] =	ssyncset.done $0x0  }
0xa4: {  	s25 =	simm.s32 $0x1B8E;
	s24 =	sld [smem:$0x3FFE];
	[sflag:s23] =	ssyncadd.s32 $0xFFFFFFFF  }
0xa5: {  	s26 =	simm.s32 $execute0_lowered;
	[smem:$0x3FD2] =	sst s25  }
0xa6: {  	s5 =	sshll.u32 s26, $0x1;
	_ =	strace $0x80000049;
	[dreg:$0x1] =	wrdreg $0xFFFFFFFF  }
0xa7: {  	s28 =	simm.s32 $_size_execute0_lowered;
	s3 =	sadd.s32 s3, s5;
	[dreg:$0x0] =	wrdreg $0x0  }
0xa8: {  	s5 =	sshll.u32 s28, $0x1;
	[dreg:$0x2] =	wrdreg s3  }
0xa9: {  	[dreg:$0x3] =	wrdreg s5  }
0xaa: {  	[dreg:$0x4] =	wrdreg $0xC0  }
0xab: {  	_ =	task [dreg:s7], $0x5FFFF  }
0xac: {  	[dreg:$0x1] =	wrdreg $0xFFFFFFFF  }
0xad: {  	[dreg:$0x0] =	wrdreg $0x60  }
0xae: {  	[dreg:$0x2] =	wrdreg s2  }
0xaf: {  	[dreg:$0x3] =	wrdreg s24  }
0xb0: {  	[dreg:$0x4] =	wrdreg $0x90000  }
0xb1: {  	[dreg:$0x5] =	wrdreg $0x9  }
0xb2: {  	_ =	task.clear_ibuf [dreg:s7], $0x6FFFF;
	_ =	strace $0x90000049  }
0xb3: {  	s29 =	simm.s32 $0x9;
	_ =	strace $0x8000004B  }
0xb4: {  	_ =	swait.ge [sflag:s29], $0x1  }
0xb5: {  	[sflag:s29] =	ssyncadd.s32 $0xFFFFFFFF  }
0xb6: {  	_ =	strace $0x9000004B  }
0xb7: {  	_ =	sfence  }
0xb8: {  	s30 =	sld [smem:$0x0];
	_ =	sdelay $0x2  }
0xb9: {  	s31 =	sshll.u32 s1, $0xD;
	s1 =	sshrl.u32 s1, $0x2  }
0xba: {  	s3 =	sand.u32 $0x4000, s31;
	s1 =	sadd.s32 s1, s30  }
0xbb: {  	s0 =	sor.u32 s3, s0;
	s1 =	sshll.u32 s1, $0x11  }
0xbc: {  	s0 =	sor.u32 s1, s0  }
0xbd: {  	s0 =	sadd.s32 $0x8F2B, s0  }
0xbe: {  	[sflag:s0] =	ssyncadd.remote.s32 $0x1  }
0xbf: {  	_ =	sfence.sel $0xFFFF  }
0xc0: {  	[dreg:$0x0] =	wrdreg $0xFFFFFFFF;
	(pc) =	sbr.abs _section_cstart, $3  }
0xc1: {  	[dreg:$0x1] =	wrdreg $0xFFFFFFFF  }
0xc2: {  	_ =	task.clear_ibuf [dreg:s7], $0x2FFFF;
	_ =	strace $0x9FFFFFFF  }
0xc3: {  	(tm) =	ssettm $0x7FFFFFFF  }
tec
execute0_lowered:
.L_overlay_start_1:
0x0: {  	(tag) =	ssettag $0x1  }
0x1: {  	s0 =	rddreg [dreg:$0x0]  }
0x2: {  	s1 =	srdreg.scid;
	s6 =	rddreg [dreg:$0x1]  }
0x3: {  	s3 =	rddreg [dreg:$0x2];
	s2 =	stileid.u32  }
0x4: {  	s4 =	simm.s32 $0x0;
	s13 =	simm.s32 $0x7D;
	s14 =	simm.s32 $0x5000  }
0x5: {  	s5 =	sand.u32 $0x1, s1;
	s1 =	rddreg [dreg:$0x3];
	s10 =	smul.u32 $0x4E200, s2  }
0x6: {  	s15 =	simm.s32 $0x1;
	[smem:$0x7FF] =	sst s4;
	s17 =	smul.u32 $0x2780, s2  }
0x7: {  	s11 =	sshll.u32 s2, $0x6;
	s7 =	sshll.u32 s5, $0x4;
	_ =	strace $0x8000004A  }
0x8: {  	s8 =	smul.u32 $0x27800, s5;
	s9 =	ssub.s32 $0x2, s5;
	s5 =	sadd.s32 $0x1C00, s6  }
0x9: {  	s11 =	sor.u32 $0x1C02, s11;
	s7 =	sor.u32 s2, s7;
	s31 =	sshrl.u32 s9, $0x1  }
0xa: {  	s10 =	sshrl.u32 s10, $0x2;
	s7 =	smul.u32 $0x500, s7;
	s8 =	sadd.s32 s8, s6  }
0xb: {  	s9 =	ssub.s32 s9, s31;
	s12 =	sadd.s32 s10, s3;
	s10 =	simm.s32 $0x2800  }
0xc: {  	s16 =	sadd.s32 $0x64C00, s8;
	s8 =	smax.u32 s9, $0x1;
	s9 =	simm.s32 $0x2  }
0xd: {  	s12 =	sshrl.u32 s12, $0x3;
	s7 =	sadd.s32 s7, s6;
	s16 =	sadd.s32 s17, s16  }
0xe: {  	s17 =	simm.s32 $0x0;
	s6 =	sadd.s32 $0x5AC00, s7;
	s7 =	sadd.s32 $0x50C00, s7  }
.LBB2_1:
0xf: {  	[tilespmem:s4], [sflag:$0x2] =	stream.linear.gather [hbm4b:s6+s4], $0x2800, $0x38;
	[tilespmem:$0x1C880] =	vst v63  }
0x10: {  	_ =	swait.ge [sflag:s9], $0x2800  }
0x11: {  	[sflag:s9] =	ssyncset.done $0x0  }
0x12: {  	[sflag:s9] =	ssyncadd.s32 $0xFFFFD800  }
0x13: {  	[tilespmem:s10], [sflag:$0x2] =	stream.linear.gather [hbm4b:s7+s4], $0x2800, $0x38;
	[tilespmem:$0x1C880] =	vst v63  }
0x14: {  	_ =	swait.ge [sflag:s9], $0x2800  }
0x15: {  	[sflag:s9] =	ssyncset.done $0x0  }
0x16: {  	[sflag:s9] =	ssyncadd.s32 $0xFFFFD800  }
0x17: {  	[spmem:s12], [sflag:s11] =	dma.local [hbm:s5], $0x2710  }
0x18: {  	_ =	swait.ge [sflag:s9], $0x2710  }
0x19: {  	[sflag:s9] =	ssyncset.done $0x0  }
0x1a: {  	[sflag:s9] =	ssyncadd.s32 $0xFFFFD8F0  }
0x1b: {  	s18 =	simm.s32 $0x0;
	[bflag:$0x0] =	sbarrier.arrive $0xFFFF  }
0x1c: {  	[tilespmem:s14], [sflag:$0x1] =	stream.indirect.gather [hbm4b:s0+s13], $0x80, s18, s13, $0xb8;
	[tilespmem:$0x1C880] =	vst v63  }
0x1d: {  	_ =	swait.ge [sflag:s15], $0x3E80  }
0x1e: {  	[sflag:s15] =	ssyncset.done $0x0  }
0x1f: {  	s31 =	simm.s32 $0x2800;
	[sflag:s15] =	ssyncadd.s32 $0xFFFFC180  }
0x20: {  	[spmem:s3] =	stream.indirect.scatter.add.f32 [tilespmem:s14], [sflag:$0x2], $0x80, s31, s13, $0xb8;
	[tilespmem:$0x1C880] =	vst v63  }
0x21: {  	_ =	swait.ge [sflag:s9], $0x3E80  }
0x22: {  	s19 =	simm.s32 $0x400;
	s18 =	simm.s32 $0x200;
	[sflag:s9] =	ssyncset.done $0x0  }
.LBB2_2:
0x23: {  	s20 =	sshra.s32 s18, $0x2  }
0x24: {  	[sflag:s9] =	ssyncadd.s32 $0xFFFFC180;
	s18 =	smov.u32 s19;
	s21 =	sadd.s32 $0x200, s19  }
0x25: {  	[tilespmem:s14], [sflag:$0x1] =	stream.indirect.gather [hbm4b:s0+s13], $0x80, s20, s13, $0xb8;
	[tilespmem:$0x1C880] =	vst v63  }
0x26: {  	p0 =	sne.s32 s19, $0x9E00;
	_ =	swait.ge [sflag:s15], $0x3E80  }
.Ltmp0:
0x27: {  	[sflag:s15] =	ssyncset.done $0x0;
	(pc) =	sbr.rel @p0 .LBB2_2-.Ltmp0, $4  }
0x28: {  	s19 =	sadd.s32 $0x2800, s20;
	[sflag:s15] =	ssyncadd.s32 $0xFFFFC180  }
0x29: {  	[spmem:s3] =	stream.indirect.scatter.add.f32 [tilespmem:s14], [sflag:$0x2], $0x80, s19, s13, $0xb8;
	[tilespmem:$0x1C880] =	vst v63  }
0x2a: {  	_ =	swait.ge [sflag:s9], $0x3E80  }
0x2b: {  	s19 =	smov.u32 s21;
	[sflag:s9] =	ssyncset.done $0x0  }
0x2c: {  	s18 =	sshra.s32 s18, $0x2;
	[sflag:s9] =	ssyncadd.s32 $0xFFFFC180  }
0x2d: {  	[tilespmem:s14], [sflag:$0x1] =	stream.indirect.gather [hbm4b:s0+s13], $0x80, s18, s13, $0xb8;
	[tilespmem:$0x1C880] =	vst v63  }
0x2e: {  	_ =	swait.ge [sflag:s15], $0x3E80  }
0x2f: {  	[sflag:s15] =	ssyncset.done $0x0  }
0x30: {  	s18 =	sadd.s32 $0x2800, s18;
	[sflag:s15] =	ssyncadd.s32 $0xFFFFC180  }
0x31: {  	[spmem:s3] =	stream.indirect.scatter.add.f32 [tilespmem:s14], [sflag:$0x2], $0x80, s18, s13, $0xb8;
	[tilespmem:$0x1C880] =	vst v63  }
0x32: {  	_ =	swait.ge [sflag:s9], $0x3E80  }
0x33: {  	s17 =	sadd.s32 $0x1, s17;
	[sflag:s9] =	ssyncset.done $0x0  }
0x34: {  	p0 =	sne.s32 s17, s8;
	[sflag:s9] =	ssyncadd.s32 $0xFFFFC180  }
.Ltmp1:
0x35: {  	[bflag:$0x0] =	sbarrier.arrive $0xFFFF;
	(pc) =	sbr.rel @p0 .LBB2_1-.Ltmp1, $4  }
0x36: {  	[hbm:s16], [sflag:s11] =	dma.local [spmem:s12], $0x2710  }
0x37: {  	_ =	swait.ge [sflag:s9], $0x2710  }
0x38: {  	[sflag:s9] =	ssyncset.done $0x0  }
0x39: {  	[sflag:s9] =	ssyncadd.s32 $0xFFFFD8F0  }
0x3a: {  	_ =	sfence.sel $0x180000  }
0x3b: {  	[bflag:$0x0] =	sbarrier.arrive $0xFFFF  }
0x3c: {  	p0 =	sne.s32 s2, $0x0;
	_ =	strace $0x9000004A  }
0x3d: {  	s0 =	sadd.s32 @!p0 $0x100000, s1;
	[bflag:$0x2] =	sbarrier.arrive $0xFFFF  }
0x3e: {  	[sflag:s0] =	ssyncadd.tile.s32 @!p0 $0x1;
	_ =	shalt  }
.Lfunc_end2:
_tile_overlayer_lowered:
.L_overlay_start_2:
0x3f: {  	(tag) =	ssettag $0x2  }
0x40: {  	s0 =	rddreg [dreg:$0x0];
	s2 =	stileid.u32  }
0x41: {  	s1 =	rddreg [dreg:$0x1];
	p0 =	sne.s32 s2, $0x0  }
0x42: {  	s3 =	rddreg [dreg:$0x2];
	[bflag:$0x3] =	sbarrier.arrive $0xFFFF;
	s2 =	simm.s32 @!p0 $0x1C02  }
0x43: {  	[timem:s3], [sflag:s2] =	dma.local @!p0 [hbm:s0], s1  }
0x44: {  	s0 =	simm.s32 @!p0 $0x2  }
0x45: {  	_ =	swait.ge @!p0 [sflag:s0], s1  }
0x46: {  	s1 =	ssub.s32 @!p0 $0x0, s1;
	[sflag:s0] =	ssyncset.done @!p0 $0x0  }
0x47: {  	[sflag:s0] =	ssyncadd.s32 @!p0 s1  }
0x48: {  	[bflag:$0x3] =	sbarrier.arrive $0xFFFF  }
0x49: {  	_ =	shalt  }

// kernel: kernel.14.cloned.1.call-start
scs
__scs_entry_jumppad:
0x0: {  	(pc) =	sbr.rel $0x88, $3  }
0x1: {  	(tag) =	ssettag $0x0;
	lr =	simm.s32 $0x1  }
0x2: {  	[smem:$0x3F9B] =	sst lr;
	_ =	strace $0xD0000000  }
0x3: {  	_ = 	snop  }
0x4: {  	_ = 	snop  }
0x5: {  	_ = 	snop  }
0x6: {  	_ = 	snop  }
0x7: {  	_ = 	snop  }
__scs_overlays_trampoline_lowered:
0x8: {  	[smem:$0x3FAA] =	sst s0  }
0x9: {  	[smem:$0x3FAB] =	sst s1  }
0xa: {  	[smem:$0x3FAC] =	sst s2  }
0xb: {  	[smem:$0x3FAD] =	sst s3  }
0xc: {  	[smem:$0x3FAE] =	sst s4  }
0xd: {  	[smem:$0x3FAF] =	sst s5  }
0xe: {  	[smem:$0x3FB0] =	sst s6  }
0xf: {  	[smem:$0x3FB1] =	sst s7  }
0x10: {  	[smem:$0x3FB2] =	sst s8  }
0x11: {  	[smem:$0x3FB3] =	sst s9;
	s0 =	simm.s32 @!p0 $0x0  }
0x12: {  	s1 =	sld [smem:$0x3F99];
	s0 =	simm.s32 @p0 $0x1  }
0x13: {  	[smem:$0x3FB4] =	sst s0;
	s0 =	simm.s32 @!p1 $0x0  }
0x14: {  	s2 =	sld [smem:$0x3F98];
	s0 =	simm.s32 @p1 $0x1  }
0x15: {  	[smem:$0x3FB5] =	sst s0;
	s0 =	simm.s32 @!p2 $0x0  }
0x16: {  	s3 =	sld [smem:$0x3FDB];
	s0 =	simm.s32 @p2 $0x1  }
0x17: {  	s4 =	simm.s32 $0x1BF5;
	[smem:$0x3FB7] =	sst s0  }
0x18: {  	s0 =	sld [smem:$0x3F9A];
	_ =	swait.ge [sflag:s4], $0x0  }
0x19: {  	s7 =	sld [smem:$0x3F9B]  }
0x1a: {  	s8 =	sadd.s32 $0xFFFFE003, lr  }
0x1b: {  	s9 =	sadd.s32 $0xFFFFFEF7, lr;
	s5 =	simm.s32 $0xFFFFFFFF;
	p2 =	slt.u32 s8, $0xFFFFF086  }
0x1c: {  	p1 =	slt.u32 s9, $0xF7A;
	s5 =	simm.s32 @!p2 $0x0  }
0x1d: {  	s5 =	simm.s32 @p1 $0x1;
	p0 =	seq.s32 s7, s2  }
0x1e: {  	s7 =	smul.u32 @!p0 $0xF7A, s2;
	p2 =	seq.s32 @!p0 s5, $0x0  }
0x1f: {  	s9 =	smul.u32 $0xF7A, s1;
	s8 =	simm.s32 @!p0 $0x1BF5;
	p2 =	por !p2, p0  }
0x20: {  	[sflag:s8] =	ssyncset.s32 @!p0 $0xFFFFF086;
	s6 =	sadd.s32 @!p0 s3, s7;
	s7 =	simm.s32 @!p0 $0x108  }
0x21: {  	s3 =	sadd.s32 s3, s9;
	s6 =	sadd.s32 @!p0 $0x88, s6;
	s7 =	simm.s32 @p2 $0x1082  }
0x22: {  	[simem:s7], [sflag:s8] =	dma.local @!p0 [hbm:s6], $0xF7A  }
0x23: {  	s9 =	sor.u32 $0xD0000000, s2;
	s6 =	simm.s32 $0x108;
	_ =	swait.ge @!p0 [sflag:s8], $0x0  }
0x24: {  	s3 =	sadd.s32 $0x88, s3;
	s6 =	simm.s32 @!p1 $0x1082;
	[sflag:s4] =	ssyncset.s32 $0xFFFFF086  }
0x25: {  	[simem:s6], [sflag:s4] =	dma.local [hbm:s3], $0xF7A  }
0x26: {  	[smem:$0x3F9B] =	sst s1;
	(tag) =	ssettag s2;
	_ =	strace s9  }
0x27: {  	s1 =	sld [smem:$0x3FAB]  }
0x28: {  	s2 =	sld [smem:$0x3FAC]  }
0x29: {  	s4 =	sld [smem:$0x3FAE]  }
0x2a: {  	p0 =	seq.s32 s5, $0x0;
	s5 =	sld [smem:$0x3FAF]  }
0x2b: {  	s6 =	sld [smem:$0x3FB0]  }
0x2c: {  	s7 =	sld [smem:$0x3FB1]  }
0x2d: {  	s3 =	simm.s32 $0x108;
	s8 =	sld [smem:$0x3FB2]  }
0x2e: {  	s3 =	simm.s32 @!p0 $0x1082;
	s9 =	sld [smem:$0x3FB3]  }
0x2f: {  	lr =	sadd.s32 s0, s3;
	s0 =	sld [smem:$0x3FAA]  }
0x30: {  	s3 =	sld [smem:$0x3FAD]  }
0x31: {  	[smem:$0x3FB6] =	sst s10  }
0x32: {  	s10 =	sld [smem:$0x3FB4];
	_ =	sdelay $0x3  }
0x33: {  	p0 =	seq.s32 s10, $0x1;
	s10 =	sld [smem:$0x3FB6];
	_ =	sdelay $0x3  }
0x34: {  	[smem:$0x3FB6] =	sst s10  }
0x35: {  	s10 =	sld [smem:$0x3FB5];
	_ =	sdelay $0x3  }
0x36: {  	p1 =	seq.s32 s10, $0x1;
	s10 =	sld [smem:$0x3FB6];
	_ =	sdelay $0x3  }
0x37: {  	[smem:$0x3FB6] =	sst s10  }
0x38: {  	s10 =	sld [smem:$0x3FB7]  }
0x39: {  	_ = 	snop;
	(pc) =	sbr.ind lr, $3  }
0x3a: {  	_ = 	snop  }
0x3b: {  	_ = 	snop  }
0x3c: {  	p2 =	seq.s32 s10, $0x1;
	s10 =	sld [smem:$0x3FB6]  }
0x3d: {  	_ =	shalt  }
0x3e: {  	_ =	shalt  }
0x3f: {  	_ =	shalt  }
0x40: {  	_ =	shalt  }
0x41: {  	_ =	shalt  }
0x42: {  	_ =	shalt  }
0x43: {  	_ =	shalt  }
0x44: {  	_ =	shalt  }
0x45: {  	_ =	shalt  }
0x46: {  	_ =	shalt  }
0x47: {  	_ =	shalt  }
0x48: {  	_ =	shalt  }
0x49: {  	_ =	shalt  }
0x4a: {  	_ =	shalt  }
0x4b: {  	_ =	shalt  }
0x4c: {  	_ =	shalt  }
0x4d: {  	_ =	shalt  }
0x4e: {  	_ =	shalt  }
0x4f: {  	_ =	shalt  }
0x50: {  	_ =	shalt  }
0x51: {  	_ =	shalt  }
0x52: {  	_ =	shalt  }
0x53: {  	_ =	shalt  }
0x54: {  	_ =	shalt  }
0x55: {  	_ =	shalt  }
0x56: {  	_ =	shalt  }
0x57: {  	_ =	shalt  }
0x58: {  	_ =	shalt  }
0x59: {  	_ =	shalt  }
0x5a: {  	_ =	shalt  }
0x5b: {  	_ =	shalt  }
0x5c: {  	_ =	shalt  }
0x5d: {  	_ =	shalt  }
0x5e: {  	_ =	shalt  }
0x5f: {  	_ =	shalt  }
0x60: {  	_ =	shalt  }
0x61: {  	_ =	shalt  }
0x62: {  	_ =	shalt  }
0x63: {  	_ =	shalt  }
0x64: {  	_ =	shalt  }
0x65: {  	_ =	shalt  }
0x66: {  	_ =	shalt  }
0x67: {  	_ =	shalt  }
0x68: {  	_ =	shalt  }
0x69: {  	_ =	shalt  }
0x6a: {  	_ =	shalt  }
0x6b: {  	_ =	shalt  }
0x6c: {  	_ =	shalt  }
0x6d: {  	_ =	shalt  }
0x6e: {  	_ =	shalt  }
0x6f: {  	_ =	shalt  }
0x70: {  	_ =	shalt  }
0x71: {  	_ =	shalt  }
0x72: {  	_ =	shalt  }
0x73: {  	_ =	shalt  }
0x74: {  	_ =	shalt  }
0x75: {  	_ =	shalt  }
0x76: {  	_ =	shalt  }
0x77: {  	_ =	shalt  }
0x78: {  	_ =	shalt  }
0x79: {  	_ =	shalt  }
0x7a: {  	_ =	shalt  }
0x7b: {  	_ =	shalt  }
0x7c: {  	_ =	shalt  }
0x7d: {  	_ =	shalt  }
0x7e: {  	_ =	shalt  }
0x7f: {  	_ =	shalt  }
0x80: {  	_ =	shalt  }
0x81: {  	_ =	shalt  }
0x82: {  	_ =	shalt  }
0x83: {  	_ =	shalt  }
0x84: {  	_ =	shalt  }
0x85: {  	_ =	shalt  }
0x86: {  	_ =	shalt  }
0x87: {  	_ =	shalt  }
.Lfunc_end0:
.L_simem_size_0:
called_computation.2_lowered:
.L_overlay_start_0:
0x88: {  	s2 =	sld [smem:$0x3FD9]  }
0x89: {  	s3 =	sld [smem:$0x3FFE];
	_ =	sdelay $0x1  }
0x8a: {  	s1 =	srdreg.scid  }
0x8b: {  	s0 =	sand.u32 $0x1, s1  }
0x8c: {  	s17 =	sshll.u32 s0, $0xA;
	s2 =	sadd.s32 s3, s2  }
0x8d: {  	s2 =	sadd.s32 s2, s17  }
0x8e: {  	[smem:$0x3FC2] =	sst s2  }
0x8f: {  	_ = 	snop  }
0x90: {  	s2 =	sld [smem:$0x3FD0];
	(tm) =	ssettm $0x1  }
0x91: {  	s18 =	sld [smem:$0x3FFB];
	_ =	sdelay $0x3  }
0x92: {  	_ =	strace s18  }
0x93: {  	s3 =	sld [smem:$0x3FFC];
	_ =	sdelay $0x3  }
0x94: {  	_ =	strace s3  }
0x95: {  	s3 =	sld [smem:$0x3FFD];
	_ =	sdelay $0x3  }
0x96: {  	_ =	strace s3  }
0x97: {  	_ =	strace $0x8FFFFFFF  }
0x98: {  	s19 =	sld [smem:$0x3FDB];
	_ =	sdelay $0x1  }
0x99: {  	s4 =	simm.s32 $_scs_section_size  }
0x9a: {  	s5 =	simm.s32 $_size__tile_overlayer_lowered;
	s6 =	simm.s32 $_tile_overlayer_lowered  }
0x9b: {  	s22 =	simm.s32 $0x1BFF;
	s21 =	sshll.u32 s6, $0x1;
	s3 =	sadd.s32 s4, s19  }
0x9c: {  	s7 =	simm.s32 $0x0;
	s20 =	sshll.u32 s5, $0x1;
	s5 =	sadd.s32 s21, s3  }
0x9d: {  	[timem:s7], [sflag:s22] =	dma.local [hbm:s5], s20  }
0x9e: {  	_ =	swait.ge [sflag:s22], s20  }
0x9f: {  	s4 =	ssub.s32 $0x0, s20;
	[sflag:s22] =	ssyncset.done $0x0  }
0xa0: {  	[sflag:s22] =	ssyncadd.s32 s4;
	_ =	sdelay $0x1  }
0xa1: {  	s23 =	simm.s32 $0x1B8B  }
0xa2: {  	_ =	swait.ge [sflag:s23], $0x1  }
0xa3: {  	[sflag:s23] =	ssyncset.done $0x0  }
0xa4: {  	s25 =	simm.s32 $0x1B8E;
	s24 =	sld [smem:$0x3FFE];
	[sflag:s23] =	ssyncadd.s32 $0xFFFFFFFF  }
0xa5: {  	s26 =	simm.s32 $execute0_lowered;
	[smem:$0x3FD2] =	sst s25  }
0xa6: {  	s5 =	sshll.u32 s26, $0x1;
	_ =	strace $0x8000004C;
	[dreg:$0x1] =	wrdreg $0xFFFFFFFF  }
0xa7: {  	s28 =	simm.s32 $_size_execute0_lowered;
	s3 =	sadd.s32 s3, s5;
	[dreg:$0x0] =	wrdreg $0x0  }
0xa8: {  	s5 =	sshll.u32 s28, $0x1;
	[dreg:$0x2] =	wrdreg s3  }
0xa9: {  	[dreg:$0x3] =	wrdreg s5  }
0xaa: {  	[dreg:$0x4] =	wrdreg $0xC0  }
0xab: {  	_ =	task [dreg:s7], $0x5FFFF  }
0xac: {  	[dreg:$0x1] =	wrdreg $0xFFFFFFFF  }
0xad: {  	[dreg:$0x0] =	wrdreg $0x60  }
0xae: {  	[dreg:$0x2] =	wrdreg s2  }
0xaf: {  	[dreg:$0x3] =	wrdreg s24  }
0xb0: {  	[dreg:$0x4] =	wrdreg $0x90000  }
0xb1: {  	[dreg:$0x5] =	wrdreg $0x9  }
0xb2: {  	_ =	task.clear_ibuf [dreg:s7], $0x6FFFF;
	_ =	strace $0x9000004C  }
0xb3: {  	s29 =	simm.s32 $0x9;
	_ =	strace $0x8000004E  }
0xb4: {  	_ =	swait.ge [sflag:s29], $0x1  }
0xb5: {  	[sflag:s29] =	ssyncadd.s32 $0xFFFFFFFF  }
0xb6: {  	_ =	strace $0x9000004E  }
0xb7: {  	_ =	sfence  }
0xb8: {  	s30 =	sld [smem:$0x0];
	_ =	sdelay $0x2  }
0xb9: {  	s31 =	sshll.u32 s1, $0xD;
	s1 =	sshrl.u32 s1, $0x2  }
0xba: {  	s3 =	sand.u32 $0x4000, s31;
	s1 =	sadd.s32 s1, s30  }
0xbb: {  	s0 =	sor.u32 s3, s0;
	s1 =	sshll.u32 s1, $0x11  }
0xbc: {  	s0 =	sor.u32 s1, s0  }
0xbd: {  	s0 =	sadd.s32 $0x8F2B, s0  }
0xbe: {  	[sflag:s0] =	ssyncadd.remote.s32 $0x1  }
0xbf: {  	_ =	sfence.sel $0xFFFF  }
0xc0: {  	[dreg:$0x0] =	wrdreg $0xFFFFFFFF;
	(pc) =	sbr.abs _section_cstart, $3  }
0xc1: {  	[dreg:$0x1] =	wrdreg $0xFFFFFFFF  }
0xc2: {  	_ =	task.clear_ibuf [dreg:s7], $0x2FFFF;
	_ =	strace $0x9FFFFFFF  }
0xc3: {  	(tm) =	ssettm $0x7FFFFFFF  }
tec
execute0_lowered:
.L_overlay_start_1:
0x0: {  	(tag) =	ssettag $0x1  }
0x1: {  	s0 =	rddreg [dreg:$0x0]  }
0x2: {  	s1 =	srdreg.scid;
	s6 =	rddreg [dreg:$0x1]  }
0x3: {  	s3 =	rddreg [dreg:$0x2];
	s2 =	stileid.u32  }
0x4: {  	s4 =	simm.s32 $0x0;
	s13 =	simm.s32 $0x7D;
	s14 =	simm.s32 $0x5000  }
0x5: {  	s5 =	sand.u32 $0x1, s1;
	s1 =	rddreg [dreg:$0x3];
	s10 =	smul.u32 $0x4E200, s2  }
0x6: {  	s15 =	simm.s32 $0x1;
	[smem:$0x7FF] =	sst s4;
	s17 =	smul.u32 $0x2780, s2  }
0x7: {  	s11 =	sshll.u32 s2, $0x6;
	s7 =	sshll.u32 s5, $0x4;
	_ =	strace $0x8000004D  }
0x8: {  	s8 =	smul.u32 $0x27800, s5;
	s9 =	ssub.s32 $0x2, s5;
	s5 =	sadd.s32 $0x1C00, s6  }
0x9: {  	s11 =	sor.u32 $0x1C02, s11;
	s7 =	sor.u32 s2, s7;
	s31 =	sshrl.u32 s9, $0x1  }
0xa: {  	s10 =	sshrl.u32 s10, $0x2;
	s7 =	smul.u32 $0x500, s7;
	s8 =	sadd.s32 s8, s6  }
0xb: {  	s9 =	ssub.s32 s9, s31;
	s12 =	sadd.s32 s10, s3;
	s10 =	simm.s32 $0x2800  }
0xc: {  	s16 =	sadd.s32 $0x64C00, s8;
	s8 =	smax.u32 s9, $0x1;
	s9 =	simm.s32 $0x2  }
0xd: {  	s12 =	sshrl.u32 s12, $0x3;
	s7 =	sadd.s32 s7, s6;
	s16 =	sadd.s32 s17, s16  }
0xe: {  	s17 =	simm.s32 $0x0;
	s6 =	sadd.s32 $0x5AC00, s7;
	s7 =	sadd.s32 $0x50C00, s7  }
.LBB2_1:
0xf: {  	[tilespmem:s4], [sflag:$0x2] =	stream.linear.gather [hbm4b:s6+s4], $0x2800, $0x38;
	[tilespmem:$0x1C880] =	vst v63  }
0x10: {  	_ =	swait.ge [sflag:s9], $0x2800  }
0x11: {  	[sflag:s9] =	ssyncset.done $0x0  }
0x12: {  	[sflag:s9] =	ssyncadd.s32 $0xFFFFD800  }
0x13: {  	[tilespmem:s10], [sflag:$0x2] =	stream.linear.gather [hbm4b:s7+s4], $0x2800, $0x38;
	[tilespmem:$0x1C880] =	vst v63  }
0x14: {  	_ =	swait.ge [sflag:s9], $0x2800  }
0x15: {  	[sflag:s9] =	ssyncset.done $0x0  }
0x16: {  	[sflag:s9] =	ssyncadd.s32 $0xFFFFD800  }
0x17: {  	[spmem:s12], [sflag:s11] =	dma.local [hbm:s5], $0x2710  }
0x18: {  	_ =	swait.ge [sflag:s9], $0x2710  }
0x19: {  	[sflag:s9] =	ssyncset.done $0x0  }
0x1a: {  	[sflag:s9] =	ssyncadd.s32 $0xFFFFD8F0  }
0x1b: {  	s18 =	simm.s32 $0x0;
	[bflag:$0x0] =	sbarrier.arrive $0xFFFF  }
0x1c: {  	[tilespmem:s14], [sflag:$0x1] =	stream.indirect.gather [hbm4b:s0+s13], $0x80, s18, s13, $0xb8;
	[tilespmem:$0x1C880] =	vst v63  }
0x1d: {  	_ =	swait.ge [sflag:s15], $0x3E80  }
0x1e: {  	[sflag:s15] =	ssyncset.done $0x0  }
0x1f: {  	s31 =	simm.s32 $0x2800;
	[sflag:s15] =	ssyncadd.s32 $0xFFFFC180  }
0x20: {  	[spmem:s3] =	stream.indirect.scatter.add.f32 [tilespmem:s14], [sflag:$0x2], $0x80, s31, s13, $0xb8;
	[tilespmem:$0x1C880] =	vst v63  }
0x21: {  	_ =	swait.ge [sflag:s9], $0x3E80  }
0x22: {  	s19 =	simm.s32 $0x400;
	s18 =	simm.s32 $0x200;
	[sflag:s9] =	ssyncset.done $0x0  }
.LBB2_2:
0x23: {  	s20 =	sshra.s32 s18, $0x2  }
0x24: {  	[sflag:s9] =	ssyncadd.s32 $0xFFFFC180;
	s18 =	smov.u32 s19;
	s21 =	sadd.s32 $0x200, s19  }
0x25: {  	[tilespmem:s14], [sflag:$0x1] =	stream.indirect.gather [hbm4b:s0+s13], $0x80, s20, s13, $0xb8;
	[tilespmem:$0x1C880] =	vst v63  }
0x26: {  	p0 =	sne.s32 s19, $0x9E00;
	_ =	swait.ge [sflag:s15], $0x3E80  }
.Ltmp0:
0x27: {  	[sflag:s15] =	ssyncset.done $0x0;
	(pc) =	sbr.rel @p0 .LBB2_2-.Ltmp0, $4  }
0x28: {  	s19 =	sadd.s32 $0x2800, s20;
	[sflag:s15] =	ssyncadd.s32 $0xFFFFC180  }
0x29: {  	[spmem:s3] =	stream.indirect.scatter.add.f32 [tilespmem:s14], [sflag:$0x2], $0x80, s19, s13, $0xb8;
	[tilespmem:$0x1C880] =	vst v63  }
0x2a: {  	_ =	swait.ge [sflag:s9], $0x3E80  }
0x2b: {  	s19 =	smov.u32 s21;
	[sflag:s9] =	ssyncset.done $0x0  }
0x2c: {  	s18 =	sshra.s32 s18, $0x2;
	[sflag:s9] =	ssyncadd.s32 $0xFFFFC180  }
0x2d: {  	[tilespmem:s14], [sflag:$0x1] =	stream.indirect.gather [hbm4b:s0+s13], $0x80, s18, s13, $0xb8;
	[tilespmem:$0x1C880] =	vst v63  }
0x2e: {  	_ =	swait.ge [sflag:s15], $0x3E80  }
0x2f: {  	[sflag:s15] =	ssyncset.done $0x0  }
0x30: {  	s18 =	sadd.s32 $0x2800, s18;
	[sflag:s15] =	ssyncadd.s32 $0xFFFFC180  }
0x31: {  	[spmem:s3] =	stream.indirect.scatter.add.f32 [tilespmem:s14], [sflag:$0x2], $0x80, s18, s13, $0xb8;
	[tilespmem:$0x1C880] =	vst v63  }
0x32: {  	_ =	swait.ge [sflag:s9], $0x3E80  }
0x33: {  	s17 =	sadd.s32 $0x1, s17;
	[sflag:s9] =	ssyncset.done $0x0  }
0x34: {  	p0 =	sne.s32 s17, s8;
	[sflag:s9] =	ssyncadd.s32 $0xFFFFC180  }
.Ltmp1:
0x35: {  	[bflag:$0x0] =	sbarrier.arrive $0xFFFF;
	(pc) =	sbr.rel @p0 .LBB2_1-.Ltmp1, $4  }
0x36: {  	[hbm:s16], [sflag:s11] =	dma.local [spmem:s12], $0x2710  }
0x37: {  	_ =	swait.ge [sflag:s9], $0x2710  }
0x38: {  	[sflag:s9] =	ssyncset.done $0x0  }
0x39: {  	[sflag:s9] =	ssyncadd.s32 $0xFFFFD8F0  }
0x3a: {  	_ =	sfence.sel $0x180000  }
0x3b: {  	[bflag:$0x0] =	sbarrier.arrive $0xFFFF  }
0x3c: {  	p0 =	sne.s32 s2, $0x0;
	_ =	strace $0x9000004D  }
0x3d: {  	s0 =	sadd.s32 @!p0 $0x100000, s1;
	[bflag:$0x2] =	sbarrier.arrive $0xFFFF  }
0x3e: {  	[sflag:s0] =	ssyncadd.tile.s32 @!p0 $0x1;
	_ =	shalt  }
.Lfunc_end2:
_tile_overlayer_lowered:
.L_overlay_start_2:
0x3f: {  	(tag) =	ssettag $0x2  }
0x40: {  	s0 =	rddreg [dreg:$0x0];
	s2 =	stileid.u32  }
0x41: {  	s1 =	rddreg [dreg:$0x1];
	p0 =	sne.s32 s2, $0x0  }
0x42: {  	s3 =	rddreg [dreg:$0x2];
	[bflag:$0x3] =	sbarrier.arrive $0xFFFF;
	s2 =	simm.s32 @!p0 $0x1C02  }
0x43: {  	[timem:s3], [sflag:s2] =	dma.local @!p0 [hbm:s0], s1  }
0x44: {  	s0 =	simm.s32 @!p0 $0x2  }
0x45: {  	_ =	swait.ge @!p0 [sflag:s0], s1  }
0x46: {  	s1 =	ssub.s32 @!p0 $0x0, s1;
	[sflag:s0] =	ssyncset.done @!p0 $0x0  }
0x47: {  	[sflag:s0] =	ssyncadd.s32 @!p0 s1  }
0x48: {  	[bflag:$0x3] =	sbarrier.arrive $0xFFFF  }
0x49: {  	_ =	shalt  }

// kernel: kernel.8.cloned.1.call-start
scs
__scs_entry_jumppad:
0x0: {  	(pc) =	sbr.rel $0x88, $3  }
0x1: {  	(tag) =	ssettag $0x0;
	lr =	simm.s32 $0x1  }
0x2: {  	[smem:$0x3F9B] =	sst lr;
	_ =	strace $0xD0000000  }
0x3: {  	_ = 	snop  }
0x4: {  	_ = 	snop  }
0x5: {  	_ = 	snop  }
0x6: {  	_ = 	snop  }
0x7: {  	_ = 	snop  }
__scs_overlays_trampoline_lowered:
0x8: {  	[smem:$0x3FAA] =	sst s0  }
0x9: {  	[smem:$0x3FAB] =	sst s1  }
0xa: {  	[smem:$0x3FAC] =	sst s2  }
0xb: {  	[smem:$0x3FAD] =	sst s3  }
0xc: {  	[smem:$0x3FAE] =	sst s4  }
0xd: {  	[smem:$0x3FAF] =	sst s5  }
0xe: {  	[smem:$0x3FB0] =	sst s6  }
0xf: {  	[smem:$0x3FB1] =	sst s7  }
0x10: {  	[smem:$0x3FB2] =	sst s8  }
0x11: {  	[smem:$0x3FB3] =	sst s9;
	s0 =	simm.s32 @!p0 $0x0  }
0x12: {  	s1 =	sld [smem:$0x3F99];
	s0 =	simm.s32 @p0 $0x1  }
0x13: {  	[smem:$0x3FB4] =	sst s0;
	s0 =	simm.s32 @!p1 $0x0  }
0x14: {  	s2 =	sld [smem:$0x3F98];
	s0 =	simm.s32 @p1 $0x1  }
0x15: {  	[smem:$0x3FB5] =	sst s0;
	s0 =	simm.s32 @!p2 $0x0  }
0x16: {  	s3 =	sld [smem:$0x3FDB];
	s0 =	simm.s32 @p2 $0x1  }
0x17: {  	s4 =	simm.s32 $0x1BF5;
	[smem:$0x3FB7] =	sst s0  }
0x18: {  	s0 =	sld [smem:$0x3F9A];
	_ =	swait.ge [sflag:s4], $0x0  }
0x19: {  	s7 =	sld [smem:$0x3F9B]  }
0x1a: {  	s8 =	sadd.s32 $0xFFFFE003, lr  }
0x1b: {  	s9 =	sadd.s32 $0xFFFFFEF7, lr;
	s5 =	simm.s32 $0xFFFFFFFF;
	p2 =	slt.u32 s8, $0xFFFFF086  }
0x1c: {  	p1 =	slt.u32 s9, $0xF7A;
	s5 =	simm.s32 @!p2 $0x0  }
0x1d: {  	s5 =	simm.s32 @p1 $0x1;
	p0 =	seq.s32 s7, s2  }
0x1e: {  	s7 =	smul.u32 @!p0 $0xF7A, s2;
	p2 =	seq.s32 @!p0 s5, $0x0  }
0x1f: {  	s9 =	smul.u32 $0xF7A, s1;
	s8 =	simm.s32 @!p0 $0x1BF5;
	p2 =	por !p2, p0  }
0x20: {  	[sflag:s8] =	ssyncset.s32 @!p0 $0xFFFFF086;
	s6 =	sadd.s32 @!p0 s3, s7;
	s7 =	simm.s32 @!p0 $0x108  }
0x21: {  	s3 =	sadd.s32 s3, s9;
	s6 =	sadd.s32 @!p0 $0x88, s6;
	s7 =	simm.s32 @p2 $0x1082  }
0x22: {  	[simem:s7], [sflag:s8] =	dma.local @!p0 [hbm:s6], $0xF7A  }
0x23: {  	s9 =	sor.u32 $0xD0000000, s2;
	s6 =	simm.s32 $0x108;
	_ =	swait.ge @!p0 [sflag:s8], $0x0  }
0x24: {  	s3 =	sadd.s32 $0x88, s3;
	s6 =	simm.s32 @!p1 $0x1082;
	[sflag:s4] =	ssyncset.s32 $0xFFFFF086  }
0x25: {  	[simem:s6], [sflag:s4] =	dma.local [hbm:s3], $0xF7A  }
0x26: {  	[smem:$0x3F9B] =	sst s1;
	(tag) =	ssettag s2;
	_ =	strace s9  }
0x27: {  	s1 =	sld [smem:$0x3FAB]  }
0x28: {  	s2 =	sld [smem:$0x3FAC]  }
0x29: {  	s4 =	sld [smem:$0x3FAE]  }
0x2a: {  	p0 =	seq.s32 s5, $0x0;
	s5 =	sld [smem:$0x3FAF]  }
0x2b: {  	s6 =	sld [smem:$0x3FB0]  }
0x2c: {  	s7 =	sld [smem:$0x3FB1]  }
0x2d: {  	s3 =	simm.s32 $0x108;
	s8 =	sld [smem:$0x3FB2]  }
0x2e: {  	s3 =	simm.s32 @!p0 $0x1082;
	s9 =	sld [smem:$0x3FB3]  }
0x2f: {  	lr =	sadd.s32 s0, s3;
	s0 =	sld [smem:$0x3FAA]  }
0x30: {  	s3 =	sld [smem:$0x3FAD]  }
0x31: {  	[smem:$0x3FB6] =	sst s10  }
0x32: {  	s10 =	sld [smem:$0x3FB4];
	_ =	sdelay $0x3  }
0x33: {  	p0 =	seq.s32 s10, $0x1;
	s10 =	sld [smem:$0x3FB6];
	_ =	sdelay $0x3  }
0x34: {  	[smem:$0x3FB6] =	sst s10  }
0x35: {  	s10 =	sld [smem:$0x3FB5];
	_ =	sdelay $0x3  }
0x36: {  	p1 =	seq.s32 s10, $0x1;
	s10 =	sld [smem:$0x3FB6];
	_ =	sdelay $0x3  }
0x37: {  	[smem:$0x3FB6] =	sst s10  }
0x38: {  	s10 =	sld [smem:$0x3FB7]  }
0x39: {  	_ = 	snop;
	(pc) =	sbr.ind lr, $3  }
0x3a: {  	_ = 	snop  }
0x3b: {  	_ = 	snop  }
0x3c: {  	p2 =	seq.s32 s10, $0x1;
	s10 =	sld [smem:$0x3FB6]  }
0x3d: {  	_ =	shalt  }
0x3e: {  	_ =	shalt  }
0x3f: {  	_ =	shalt  }
0x40: {  	_ =	shalt  }
0x41: {  	_ =	shalt  }
0x42: {  	_ =	shalt  }
0x43: {  	_ =	shalt  }
0x44: {  	_ =	shalt  }
0x45: {  	_ =	shalt  }
0x46: {  	_ =	shalt  }
0x47: {  	_ =	shalt  }
0x48: {  	_ =	shalt  }
0x49: {  	_ =	shalt  }
0x4a: {  	_ =	shalt  }
0x4b: {  	_ =	shalt  }
0x4c: {  	_ =	shalt  }
0x4d: {  	_ =	shalt  }
0x4e: {  	_ =	shalt  }
0x4f: {  	_ =	shalt  }
0x50: {  	_ =	shalt  }
0x51: {  	_ =	shalt  }
0x52: {  	_ =	shalt  }
0x53: {  	_ =	shalt  }
0x54: {  	_ =	shalt  }
0x55: {  	_ =	shalt  }
0x56: {  	_ =	shalt  }
0x57: {  	_ =	shalt  }
0x58: {  	_ =	shalt  }
0x59: {  	_ =	shalt  }
0x5a: {  	_ =	shalt  }
0x5b: {  	_ =	shalt  }
0x5c: {  	_ =	shalt  }
0x5d: {  	_ =	shalt  }
0x5e: {  	_ =	shalt  }
0x5f: {  	_ =	shalt  }
0x60: {  	_ =	shalt  }
0x61: {  	_ =	shalt  }
0x62: {  	_ =	shalt  }
0x63: {  	_ =	shalt  }
0x64: {  	_ =	shalt  }
0x65: {  	_ =	shalt  }
0x66: {  	_ =	shalt  }
0x67: {  	_ =	shalt  }
0x68: {  	_ =	shalt  }
0x69: {  	_ =	shalt  }
0x6a: {  	_ =	shalt  }
0x6b: {  	_ =	shalt  }
0x6c: {  	_ =	shalt  }
0x6d: {  	_ =	shalt  }
0x6e: {  	_ =	shalt  }
0x6f: {  	_ =	shalt  }
0x70: {  	_ =	shalt  }
0x71: {  	_ =	shalt  }
0x72: {  	_ =	shalt  }
0x73: {  	_ =	shalt  }
0x74: {  	_ =	shalt  }
0x75: {  	_ =	shalt  }
0x76: {  	_ =	shalt  }
0x77: {  	_ =	shalt  }
0x78: {  	_ =	shalt  }
0x79: {  	_ =	shalt  }
0x7a: {  	_ =	shalt  }
0x7b: {  	_ =	shalt  }
0x7c: {  	_ =	shalt  }
0x7d: {  	_ =	shalt  }
0x7e: {  	_ =	shalt  }
0x7f: {  	_ =	shalt  }
0x80: {  	_ =	shalt  }
0x81: {  	_ =	shalt  }
0x82: {  	_ =	shalt  }
0x83: {  	_ =	shalt  }
0x84: {  	_ =	shalt  }
0x85: {  	_ =	shalt  }
0x86: {  	_ =	shalt  }
0x87: {  	_ =	shalt  }
.Lfunc_end0:
.L_simem_size_0:
called_computation_lowered:
.L_overlay_start_0:
0x88: {  	s2 =	sld [smem:$0x3FD9]  }
0x89: {  	s3 =	sld [smem:$0x3FFE];
	_ =	sdelay $0x1  }
0x8a: {  	s1 =	srdreg.scid  }
0x8b: {  	s0 =	sand.u32 $0x1, s1  }
0x8c: {  	s17 =	sshll.u32 s0, $0xA;
	s2 =	sadd.s32 s3, s2  }
0x8d: {  	s2 =	sadd.s32 s2, s17  }
0x8e: {  	[smem:$0x3FC2] =	sst s2  }
0x8f: {  	_ = 	snop  }
0x90: {  	s2 =	sld [smem:$0x3FD0];
	(tm) =	ssettm $0x1  }
0x91: {  	s18 =	sld [smem:$0x3FFB];
	_ =	sdelay $0x3  }
0x92: {  	_ =	strace s18  }
0x93: {  	s3 =	sld [smem:$0x3FFC];
	_ =	sdelay $0x3  }
0x94: {  	_ =	strace s3  }
0x95: {  	s3 =	sld [smem:$0x3FFD];
	_ =	sdelay $0x3  }
0x96: {  	_ =	strace s3  }
0x97: {  	_ =	strace $0x8FFFFFFF  }
0x98: {  	s19 =	sld [smem:$0x3FDB];
	_ =	sdelay $0x1  }
0x99: {  	s4 =	simm.s32 $_scs_section_size  }
0x9a: {  	s5 =	simm.s32 $_size__tile_overlayer_lowered;
	s6 =	simm.s32 $_tile_overlayer_lowered  }
0x9b: {  	s22 =	simm.s32 $0x1BFF;
	s21 =	sshll.u32 s6, $0x1;
	s3 =	sadd.s32 s4, s19  }
0x9c: {  	s7 =	simm.s32 $0x0;
	s20 =	sshll.u32 s5, $0x1;
	s5 =	sadd.s32 s21, s3  }
0x9d: {  	[timem:s7], [sflag:s22] =	dma.local [hbm:s5], s20  }
0x9e: {  	_ =	swait.ge [sflag:s22], s20  }
0x9f: {  	s4 =	ssub.s32 $0x0, s20;
	[sflag:s22] =	ssyncset.done $0x0  }
0xa0: {  	[sflag:s22] =	ssyncadd.s32 s4;
	_ =	sdelay $0x1  }
0xa1: {  	s23 =	simm.s32 $0x1B8B  }
0xa2: {  	_ =	swait.ge [sflag:s23], $0x1  }
0xa3: {  	[sflag:s23] =	ssyncset.done $0x0  }
0xa4: {  	s25 =	simm.s32 $0x1B8E;
	s24 =	sld [smem:$0x3FFE];
	[sflag:s23] =	ssyncadd.s32 $0xFFFFFFFF  }
0xa5: {  	s26 =	simm.s32 $execute0_lowered;
	[smem:$0x3FD2] =	sst s25  }
0xa6: {  	s5 =	sshll.u32 s26, $0x1;
	_ =	strace $0x80000046;
	[dreg:$0x1] =	wrdreg $0xFFFFFFFF  }
0xa7: {  	s28 =	simm.s32 $_size_execute0_lowered;
	s3 =	sadd.s32 s3, s5;
	[dreg:$0x0] =	wrdreg $0x0  }
0xa8: {  	s5 =	sshll.u32 s28, $0x1;
	[dreg:$0x2] =	wrdreg s3  }
0xa9: {  	[dreg:$0x3] =	wrdreg s5  }
0xaa: {  	[dreg:$0x4] =	wrdreg $0xC0  }
0xab: {  	_ =	task [dreg:s7], $0x5FFFF  }
0xac: {  	[dreg:$0x1] =	wrdreg $0xFFFFFFFF  }
0xad: {  	[dreg:$0x0] =	wrdreg $0x60  }
0xae: {  	[dreg:$0x2] =	wrdreg s24  }
0xaf: {  	[dreg:$0x3] =	wrdreg s2  }
0xb0: {  	[dreg:$0x4] =	wrdreg $0x9  }
0xb1: {  	_ =	task.clear_ibuf [dreg:s7], $0x5FFFF;
	_ =	strace $0x90000046  }
0xb2: {  	s29 =	simm.s32 $0x9;
	_ =	strace $0x80000048  }
0xb3: {  	_ =	swait.ge [sflag:s29], $0x1  }
0xb4: {  	[sflag:s29] =	ssyncadd.s32 $0xFFFFFFFF  }
0xb5: {  	_ =	strace $0x90000048  }
0xb6: {  	_ =	sfence  }
0xb7: {  	s30 =	sld [smem:$0x0];
	_ =	sdelay $0x2  }
0xb8: {  	s31 =	sshll.u32 s1, $0xD;
	s1 =	sshrl.u32 s1, $0x2  }
0xb9: {  	s3 =	sand.u32 $0x4000, s31;
	s1 =	sadd.s32 s1, s30  }
0xba: {  	s0 =	sor.u32 s3, s0;
	s1 =	sshll.u32 s1, $0x11  }
0xbb: {  	s0 =	sor.u32 s1, s0  }
0xbc: {  	s0 =	sadd.s32 $0x8F2B, s0  }
0xbd: {  	[sflag:s0] =	ssyncadd.remote.s32 $0x1  }
0xbe: {  	_ =	sfence.sel $0xFFFF  }
0xbf: {  	[dreg:$0x0] =	wrdreg $0xFFFFFFFF;
	(pc) =	sbr.abs _section_cstart, $3  }
0xc0: {  	[dreg:$0x1] =	wrdreg $0xFFFFFFFF  }
0xc1: {  	_ =	task.clear_ibuf [dreg:s7], $0x2FFFF;
	_ =	strace $0x9FFFFFFF  }
0xc2: {  	(tm) =	ssettm $0x7FFFFFFF  }
0xc3: {  	_ =	shalt  }
tec
execute0_lowered:
.L_overlay_start_1:
0x0: {  	(tag) =	ssettag $0x1  }
0x1: {  	s0 =	srdreg.scid  }
0x2: {  	s3 =	rddreg [dreg:$0x0];
	s4 =	sand.u32 $0x1, s0  }
0x3: {  	s5 =	rddreg [dreg:$0x1];
	s1 =	stileid.u32;
	s2 =	sshll.u32 s4, $0x4  }
0x4: {  	s0 =	rddreg [dreg:$0x2];
	s6 =	sor.u32 s1, s2  }
0x5: {  	s4 =	ssub.s32 $0x2, s4;
	s2 =	simm.s32 $0x0;
	s7 =	smul.u32 $0x2780, s6  }
0x6: {  	s8 =	sshrl.u32 s4, $0x1;
	[smem:$0x7FF] =	sst s2;
	s6 =	smul.u32 $0x4E2, s6  }
0x7: {  	s31 =	ssub.s32 s4, s8;
	s8 =	simm.s32 $0x0;
	_ =	strace $0x80000047  }
0x8: {  	s3 =	sadd.s32 s7, s3;
	s4 =	sadd.s32 s5, s6;
	s5 =	smax.u32 s31, $0x1  }
0x9: {  	v0 =	vimm.f32 $0.0e+00;
	v1 =	vimm.f32 $1.000000000e+00;
	s6 =	simm.s32 $0x1;
	s7 =	simm.s32 $0x13C00;
	s3 =	sadd.s32 $0x1C00, s3  }
.LBB2_1:
0xa: {  	[tilespmem:s2], [sflag:$0x1] =	stream.linear.gather [hbm4b:s3+s2], $0x13880, $0x38;
	[tilespmem:$0x16380] =	vst v63  }
0xb: {  	_ =	swait.ge [sflag:s6], $0x13880  }
0xc: {  	[sflag:s6] =	ssyncset.done $0x0  }
0xd: {  	s9 =	simm.s32 $0x0;
	[sflag:s6] =	ssyncadd.s32 $0xFFFEC780  }
.LBB2_2:
0xe: {  	p0 =	sne.s32 s9, $0x9C00  }
.Ltmp0:
0xf: {  	_ = 	snop;
	(pc) =	sbr.rel @p0 .LBB2_2-.Ltmp0, $3  }
0x10: {  	_ =	sdelay $0x1  }
0x11: {  	s10 =	sshra.s32 s9, $0x2  }
0x12: {  	s9 =	sadd.s32 $0x40, s9;
	[tilespmem:s10+$0x13C00] =	vst v0  }
0x13: {  	s10 =	simm.s32 $0x0;
	s9 =	simm.s32 $0x200  }
.LBB2_4:
0x14: {  	p0 =	sne.s32 s9, $0x4E000;
	v2 =	vld [tilespmem:s10+$0x0];
	_ =	sdelay $0x3  }
.Ltmp1:
0x15: {  	(pc) =	sbr.rel @p0 .LBB2_4-.Ltmp1, $2  }
0x16: {  	_ =	sdelay $0x2  }
0x17: {  	s10 =	sshra.s32 s9, $0x2;
	s9 =	sadd.s32 $0x200, s9;
	[tilespmem:v2+s7+$0x0] =	vst.idx.add.f32.msk $0xffff, v1  }
0x18: {  	v2 =	vld [tilespmem:s10+$0x0];
	_ =	sdelay $0x5  }
0x19: {  	s8 =	sadd.s32 $0x1, s8  }
0x1a: {  	p0 =	sne.s32 s8, s5  }
.Ltmp2:
0x1b: {  	[tilespmem:v2+s7+$0x0] =	vst.idx.add.f32.msk $0xffff, v1;
	(pc) =	sbr.rel @p0 .LBB2_1-.Ltmp2, $4  }
0x1c: {  	[hbm4b:s4+s2] =	stream.linear.scatter [tilespmem:s7], [sflag:$0x1], $0x2710, $0x38;
	[tilespmem:$0x16380] =	vst v63  }
0x1d: {  	_ =	swait.ge [sflag:s6], $0x2710  }
0x1e: {  	[sflag:s6] =	ssyncset.done $0x0  }
0x1f: {  	[sflag:s6] =	ssyncadd.s32 $0xFFFFD8F0  }
0x20: {  	_ =	sfence.sel $0x180000  }
0x21: {  	[bflag:$0x0] =	sbarrier.arrive $0xFFFF  }
0x22: {  	p0 =	sne.s32 s1, $0x0;
	_ =	strace $0x90000047  }
0x23: {  	s0 =	sadd.s32 @!p0 $0x100000, s0;
	[bflag:$0x2] =	sbarrier.arrive $0xFFFF  }
0x24: {  	[sflag:s0] =	ssyncadd.tile.s32 @!p0 $0x1;
	_ =	shalt  }
.Lfunc_end2:
_tile_overlayer_lowered:
.L_overlay_start_2:
0x25: {  	(tag) =	ssettag $0x2  }
0x26: {  	s0 =	rddreg [dreg:$0x0];
	s2 =	stileid.u32  }
0x27: {  	s1 =	rddreg [dreg:$0x1];
	p0 =	sne.s32 s2, $0x0  }
0x28: {  	s3 =	rddreg [dreg:$0x2];
	[bflag:$0x3] =	sbarrier.arrive $0xFFFF;
	s2 =	simm.s32 @!p0 $0x1C01  }
0x29: {  	[timem:s3], [sflag:s2] =	dma.local @!p0 [hbm:s0], s1  }
0x2a: {  	s0 =	simm.s32 @!p0 $0x1  }
0x2b: {  	_ =	swait.ge @!p0 [sflag:s0], s1  }
0x2c: {  	s1 =	ssub.s32 @!p0 $0x0, s1;
	[sflag:s0] =	ssyncset.done @!p0 $0x0  }
0x2d: {  	[sflag:s0] =	ssyncadd.s32 @!p0 s1  }
0x2e: {  	[bflag:$0x3] =	sbarrier.arrive $0xFFFF  }
0x2f: {  	_ =	shalt  }

</sc_bundles>
